<compile_context>
chip_gen: v7x
topology: tpu7x:2x2x1
jax: 0.10.2.dev20260603
libtpu: 0.0.44.dev20260713+nightly
codegen_flags: <defaults>
</compile_context>

<pallas_src>
import functools

import jax
import jax.numpy as jnp
from jax import lax
from jax.experimental import pallas as pl
from jax.experimental.pallas import tpu as pltpu
from jax.experimental.pallas import tpu_sc as plsc

_CHUNK = 256
_LANES = 16


def _sc_lengths(mt_flat, S, B):
    mesh = plsc.VectorSubcoreMesh(core_axis_name="c", subcore_axis_name="s")

    @functools.partial(
        pl.kernel,
        mesh=mesh,
        out_type=jax.ShapeDtypeStruct((B,), jnp.int32),
        scratch_types=[
            pltpu.VMEM((S * B,), jnp.int32),
            pltpu.VMEM((B,), jnp.int32),
            pltpu.SemaphoreType.DMA,
        ],
    )
    def k(m_hbm, out_hbm, m_v, len_v, sem):
        wid = lax.axis_index("s") * 2 + lax.axis_index("c")

        @pl.when(wid == 0)
        def _():
            pltpu.async_copy(m_hbm, m_v, sem).wait()

            def add_row(s, acc):
                return acc + m_v[pl.ds(s * B, B)]

            len_v[...] = lax.fori_loop(
                0, S, add_row, jnp.zeros((B,), jnp.int32), unroll=8
            )
            pltpu.async_copy(len_v, out_hbm, sem).wait()

    return k(mt_flat)


def _body(l_ref, m_ref, x_hbm, o_ref, scratch, sems):
    b = pl.program_id(0)
    nb = pl.num_programs(0)
    _, S, D = scratch.shape
    nc = S // _CHUNK

    def chunk_copy(row, buf, c):
        return pltpu.make_async_copy(
            x_hbm.at[row, pl.ds(c * _CHUNK, _CHUNK), :],
            scratch.at[buf, pl.ds(c * _CHUNK, _CHUNK), :],
            sems.at[buf],
        )

    def issue(row, buf):
        nch = (l_ref[row] + _CHUNK - 1) // _CHUNK

        def st(c, carry):
            @pl.when(c < nch)
            def _():
                chunk_copy(row, buf, c).start()
            return carry

        jax.lax.fori_loop(0, nc, st, 0, unroll=True)

    def wait_row(row, buf):
        nch = (l_ref[row] + _CHUNK - 1) // _CHUNK

        def wt(c, carry):
            @pl.when(c < nch)
            def _():
                chunk_copy(row, buf, c).wait()
            return carry

        jax.lax.fori_loop(0, nc, wt, 0, unroll=True)

    @pl.when(b == 0)
    def _():
        issue(b, 0)

    nxt = b + 1

    @pl.when((nxt < nb) & (nxt % 2 == 0))
    def _():
        issue(nxt, 0)

    @pl.when((nxt < nb) & (nxt % 2 == 1))
    def _():
        issue(nxt, 1)

    @pl.when(b % 2 == 0)
    def _():
        wait_row(b, 0)

    @pl.when(b % 2 == 1)
    def _():
        wait_row(b, 1)

    length = l_ref[b]
    zeros_c = jnp.zeros((_CHUNK, D), dtype=o_ref.dtype)
    for buf in (0, 1):

        @pl.when(b % 2 == buf)
        def _(buf=buf):
            for c in range(nc):
                lo = c * _CHUNK

                @pl.when(lo < length)
                def _(lo=lo):
                    pos = jax.lax.broadcasted_iota(jnp.int32, (_CHUNK, 1), 0) + lo
                    m_t = m_ref[0, 0, pl.ds(lo, _CHUNK)][:, None]
                    keep = (pos < length) & (m_t > 0)
                    o_ref[0, pl.ds(lo, _CHUNK), :] = jnp.where(
                        keep, scratch[buf, pl.ds(lo, _CHUNK), :], zeros_c
                    )

                @pl.when(lo >= length)
                def _(lo=lo):
                    o_ref[0, pl.ds(lo, _CHUNK), :] = zeros_c


def kernel(x, mask):
    B, S, D = x.shape
    mi = mask.astype(jnp.int32)
    lengths = _sc_lengths(mi.T.reshape(-1), S, B)

    m3 = mi.reshape(B, 1, S)
    return pl.pallas_call(
        _body,
        grid=(B,),
        in_specs=[
            pl.BlockSpec(memory_space=pltpu.SMEM),
            pl.BlockSpec((1, 1, S), lambda b: (b, 0, 0)),
            pl.BlockSpec(memory_space=pl.ANY),
        ],
        out_specs=pl.BlockSpec((1, S, D), lambda b: (b, 0, 0)),
        out_shape=jax.ShapeDtypeStruct((B, S, D), x.dtype),
        scratch_shapes=[
            pltpu.VMEM((2, S, D), x.dtype),
            pltpu.SemaphoreType.DMA((2,)),
        ],
    )(lengths, m3, x)

# --- scband reference (transcript-rebuilt; emitter-appended) ---
"""Pipeline reference for scband-squeeze-embedding-14491219657085 (READ-ONLY COPY).

The authoritative reference and input builder live on the scoring server;
editing this copy changes nothing except your own understanding.
"""

import jax, jax.numpy as jnp
import numpy as np


def setup_inputs(seed: int = 0) -> dict:
    key = jax.random.key(seed)
    k1, k2 = jax.random.split(key)
    x = jax.random.normal(k1, (16, 2048, 1024), dtype=jnp.float32)
    mask = jax.random.randint(k2, (16, 2048), 0, 2).astype(jnp.bool_)
    return {"x": x, "mask": mask}


def reference(x, mask):
    # SqueezeEmbedding.forward with batch_first=True, padding_idx=0,
    # max_len=None, use_mask=True, mask provided, return_mask=False.
    # lengths from mask
    lengths = mask.sum(axis=1).astype(jnp.int32)
    # torch.sort(lengths, descending=True)
    sorted_indices = jnp.argsort(-lengths)
    lengths_sorted = lengths[sorted_indices]
    # _, original_indices = torch.sort(sorted_indices)
    original_indices = jnp.argsort(sorted_indices)
    # gather: x = x[sorted_indices]
    x_s = jnp.take(x, sorted_indices, axis=0)
    # pack_padded_sequence -> pad_packed_sequence with total_length = S
    # is equivalent to zeroing positions t >= lengths_sorted[i]
    S = x.shape[1]
    pos = jnp.arange(S)[None, :]
    prefix = (pos < lengths_sorted[:, None]).astype(x.dtype)
    x_packed = x_s * prefix[:, :, None]
    # restore original order: x_padded = x_padded[original_indices]
    x_padded = jnp.take(x_packed, original_indices, axis=0)
    # mask was also permuted and un-permuted; net effect is identity, so
    # the final masking uses the original mask
    mask_f = mask.astype(x.dtype)
    out = x_padded * mask_f[:, :, None]
    return out

if __name__ == "__main__":
    import jax
    _d = setup_inputs()
    print(jax.jit(kernel)(*tuple(_d.values())))

</pallas_src>

<mosaic_0001>
#map = affine_map<(d0, d1) -> (0)>
module attributes {stable_mosaic.version = 14 : i64} {
  func.func @k(%arg0: i32, %arg1: i32, %arg2: memref<32768xi32, #tpu.memory_space<hbm>>, %arg3: memref<16xi32, #tpu.memory_space<hbm>>, %arg4: memref<32768xi32, #tpu.memory_space<vmem>>, %arg5: memref<16xi32, #tpu.memory_space<vmem>>, %arg6: memref<!tpu.dma_semaphore, #tpu.memory_space<semaphore_mem>>) attributes {dimension_semantics = [#tpu.dimension_semantics<core_parallel>, #tpu.dimension_semantics<subcore_parallel>], iteration_bounds = array<i64: 2, 16>, scalar_prefetch = 0 : i64, scratch_operands = 3 : i64, tpu.core_type = #tpu.core_type<sc_vector_subcore>, window_params = [{transform_indices = #map}, {transform_indices = #map}]} {
    %mul3A = arith.constant 2 : i32
    %mul3A_0 = arith.muli %arg1, %mul3A : i32
    %add3A = arith.addi %mul3A_0, %arg0 : i32
    %eq3A = arith.constant 0 : i32
    %eq3A_1 = arith.cmpi eq, %add3A, %eq3A : i32
    %convert_element_type3A = arith.extui %eq3A_1 : i1 to i32
    %cond3A = arith.constant 0 : i32
    %cond3A_2 = arith.cmpi ne, %convert_element_type3A, %cond3A : i32
    scf.if %cond3A_2 {
      tpu.enqueue_dma source(%arg2 : memref<32768xi32, #tpu.memory_space<hbm>>) target(%arg4 : memref<32768xi32, #tpu.memory_space<vmem>>) target_semaphore(%arg6 : memref<!tpu.dma_semaphore, #tpu.memory_space<semaphore_mem>>)
      tpu.wait_dma2 semaphore(%arg6 : memref<!tpu.dma_semaphore, #tpu.memory_space<semaphore_mem>>) src(%arg2 : memref<32768xi32, #tpu.memory_space<hbm>>) dst(%arg4 : memref<32768xi32, #tpu.memory_space<vmem>>)
      %broadcast_in_dim3A = arith.constant 0 : i32
      %broadcast_in_dim3A_3 = vector.broadcast %broadcast_in_dim3A : i32 to vector<16xi32>
      %scan3A = arith.constant 0 : i32
      %scan3A_4 = arith.constant 2048 : i32
      %scan3A_5 = arith.addi %scan3A, %scan3A_4 : i32
      %scan3A_6 = arith.constant 8 : i32
      %scan3A_7 = scf.for %scan3A_12 = %scan3A to %scan3A_5 step %scan3A_6 iter_args(%scan3A_13 = %broadcast_in_dim3A_3) -> (vector<16xi32>)  : i32 {
        %mul3A_14 = arith.constant 16 : i32
        %mul3A_15 = arith.muli %scan3A_12, %mul3A_14 : i32
        %get3A = arith.index_cast %mul3A_15 : i32 to index
        %get3A_16 = tpu.vector_load %arg4[%get3A] {strides = array<i32>} : memref<32768xi32, #tpu.memory_space<vmem>>, vector<16xi32>,
        %get3A_17 = vector.shape_cast %get3A_16 : vector<16xi32> to vector<16xi32>
        %add3A_18 = arith.addi %scan3A_13, %get3A_17 : vector<16xi32>
        %scan3A_19 = arith.constant 1 : i32
        %scan3A_20 = arith.addi %scan3A_12, %scan3A_19 : i32
        %mul3A_21 = arith.constant 16 : i32
        %mul3A_22 = arith.muli %scan3A_20, %mul3A_21 : i32
        %get3A_23 = arith.index_cast %mul3A_22 : i32 to index
        %get3A_24 = tpu.vector_load %arg4[%get3A_23] {strides = array<i32>} : memref<32768xi32, #tpu.memory_space<vmem>>, vector<16xi32>,
        %get3A_25 = vector.shape_cast %get3A_24 : vector<16xi32> to vector<16xi32>
        %add3A_26 = arith.addi %add3A_18, %get3A_25 : vector<16xi32>
        %scan3A_27 = arith.constant 2 : i32
        %scan3A_28 = arith.addi %scan3A_12, %scan3A_27 : i32
        %mul3A_29 = arith.constant 16 : i32
        %mul3A_30 = arith.muli %scan3A_28, %mul3A_29 : i32
        %get3A_31 = arith.index_cast %mul3A_30 : i32 to index
        %get3A_32 = tpu.vector_load %arg4[%get3A_31] {strides = array<i32>} : memref<32768xi32, #tpu.memory_space<vmem>>, vector<16xi32>,
        %get3A_33 = vector.shape_cast %get3A_32 : vector<16xi32> to vector<16xi32>
        %add3A_34 = arith.addi %add3A_26, %get3A_33 : vector<16xi32>
        %scan3A_35 = arith.constant 3 : i32
        %scan3A_36 = arith.addi %scan3A_12, %scan3A_35 : i32
        %mul3A_37 = arith.constant 16 : i32
        %mul3A_38 = arith.muli %scan3A_36, %mul3A_37 : i32
        %get3A_39 = arith.index_cast %mul3A_38 : i32 to index
        %get3A_40 = tpu.vector_load %arg4[%get3A_39] {strides = array<i32>} : memref<32768xi32, #tpu.memory_space<vmem>>, vector<16xi32>,
        %get3A_41 = vector.shape_cast %get3A_40 : vector<16xi32> to vector<16xi32>
        %add3A_42 = arith.addi %add3A_34, %get3A_41 : vector<16xi32>
        %scan3A_43 = arith.constant 4 : i32
        %scan3A_44 = arith.addi %scan3A_12, %scan3A_43 : i32
        %mul3A_45 = arith.constant 16 : i32
        %mul3A_46 = arith.muli %scan3A_44, %mul3A_45 : i32
        %get3A_47 = arith.index_cast %mul3A_46 : i32 to index
        %get3A_48 = tpu.vector_load %arg4[%get3A_47] {strides = array<i32>} : memref<32768xi32, #tpu.memory_space<vmem>>, vector<16xi32>,
        %get3A_49 = vector.shape_cast %get3A_48 : vector<16xi32> to vector<16xi32>
        %add3A_50 = arith.addi %add3A_42, %get3A_49 : vector<16xi32>
        %scan3A_51 = arith.constant 5 : i32
        %scan3A_52 = arith.addi %scan3A_12, %scan3A_51 : i32
        %mul3A_53 = arith.constant 16 : i32
        %mul3A_54 = arith.muli %scan3A_52, %mul3A_53 : i32
        %get3A_55 = arith.index_cast %mul3A_54 : i32 to index
        %get3A_56 = tpu.vector_load %arg4[%get3A_55] {strides = array<i32>} : memref<32768xi32, #tpu.memory_space<vmem>>, vector<16xi32>,
        %get3A_57 = vector.shape_cast %get3A_56 : vector<16xi32> to vector<16xi32>
        %add3A_58 = arith.addi %add3A_50, %get3A_57 : vector<16xi32>
        %scan3A_59 = arith.constant 6 : i32
        %scan3A_60 = arith.addi %scan3A_12, %scan3A_59 : i32
        %mul3A_61 = arith.constant 16 : i32
        %mul3A_62 = arith.muli %scan3A_60, %mul3A_61 : i32
        %get3A_63 = arith.index_cast %mul3A_62 : i32 to index
        %get3A_64 = tpu.vector_load %arg4[%get3A_63] {strides = array<i32>} : memref<32768xi32, #tpu.memory_space<vmem>>, vector<16xi32>,
        %get3A_65 = vector.shape_cast %get3A_64 : vector<16xi32> to vector<16xi32>
        %add3A_66 = arith.addi %add3A_58, %get3A_65 : vector<16xi32>
        %scan3A_67 = arith.constant 7 : i32
        %scan3A_68 = arith.addi %scan3A_12, %scan3A_67 : i32
        %mul3A_69 = arith.constant 16 : i32
        %mul3A_70 = arith.muli %scan3A_68, %mul3A_69 : i32
        %get3A_71 = arith.index_cast %mul3A_70 : i32 to index
        %get3A_72 = tpu.vector_load %arg4[%get3A_71] {strides = array<i32>} : memref<32768xi32, #tpu.memory_space<vmem>>, vector<16xi32>,
        %get3A_73 = vector.shape_cast %get3A_72 : vector<16xi32> to vector<16xi32>
        %add3A_74 = arith.addi %add3A_66, %get3A_73 : vector<16xi32>
        scf.yield %add3A_74 : vector<16xi32>
      }
      %scan3A_8 = arith.constant 2048 : i32
      %swap3A = arith.constant 0 : index
      %swap3A_9 = tpu.vector_load %arg5[%swap3A] {strides = array<i32>} : memref<16xi32, #tpu.memory_space<vmem>>, vector<16xi32>,
      %swap3A_10 = vector.shape_cast %swap3A_9 : vector<16xi32> to vector<16xi32>
      %swap3A_11 = vector.shape_cast %scan3A_7 : vector<16xi32> to vector<16xi32>
      tpu.vector_store %arg5[%swap3A], %swap3A_11 {strides = array<i32>} : memref<16xi32, #tpu.memory_space<vmem>>, vector<16xi32>,
      tpu.enqueue_dma source(%arg5 : memref<16xi32, #tpu.memory_space<vmem>>) target(%arg3 : memref<16xi32, #tpu.memory_space<hbm>>) target_semaphore(%arg6 : memref<!tpu.dma_semaphore, #tpu.memory_space<semaphore_mem>>)
      tpu.wait_dma2 semaphore(%arg6 : memref<!tpu.dma_semaphore, #tpu.memory_space<semaphore_mem>>) src(%arg5 : memref<16xi32, #tpu.memory_space<vmem>>) dst(%arg3 : memref<16xi32, #tpu.memory_space<hbm>>)
    } else {
    }
    return
  }
}

module attributes {stable_mosaic.version = 14 : i64} {
  func.func @_body(%arg0: i32, %arg1: memref<16xi32, #tpu.memory_space<smem>>, %arg2: memref<1x1x2048xi32, #tpu.memory_space<vmem>>, %arg3: memref<16x2048x1024xf32, #tpu.memory_space<any>>, %arg4: memref<1x2048x1024xf32, #tpu.memory_space<vmem>>, %arg5: memref<2x2048x1024xf32, #tpu.memory_space<vmem>>, %arg6: memref<2x!tpu.dma_semaphore, #tpu.memory_space<semaphore_mem>>) attributes {dimension_semantics = [#tpu.dimension_semantics<arbitrary>], iteration_bounds = array<i64: 16>, scalar_prefetch = 0 : i64, scratch_operands = 2 : i64, tpu.core_type = #tpu.core_type<tc>, window_params = [{transform_indices = @transform_0, window_bounds = array<i64: 16>}, {transform_indices = @transform_1, window_bounds = array<i64: 1, 1, 2048>}, {}, {transform_indices = @transform_3, window_bounds = array<i64: 1, 2048, 1024>}]} {
    %eq3A = arith.constant 0 : i32
    %eq3A_0 = arith.cmpi eq, %arg0, %eq3A : i32
    %convert_element_type3A = arith.extui %eq3A_0 : i1 to i32
    %cond3A = arith.constant 0 : i32
    %cond3A_1 = arith.cmpi ne, %convert_element_type3A, %cond3A : i32
    scf.if %cond3A_1 {
      %get3A_131 = arith.index_cast %arg0 : i32 to index
      %get3A_132 = memref.load %arg1[%get3A_131] : memref<16xi32, #tpu.memory_space<smem>>
      %add3A_133 = arith.constant 256 : i32
      %add3A_134 = arith.addi %get3A_132, %add3A_133 : i32
      %sub3A = arith.constant 1 : i32
      %sub3A_135 = arith.subi %add3A_134, %sub3A : i32
      %jit3A_136 = arith.constant 256 : i32
      %div3A = arith.divsi %sub3A_135, %jit3A_136 : i32
      %sign3A = arith.constant 0 : i32
      %sign3A_137 = arith.cmpi sgt, %sub3A_135, %sign3A : i32
      %sign3A_138 = arith.extui %sign3A_137 : i1 to i32
      %sign3A_139 = arith.constant 0 : i32
      %sign3A_140 = arith.cmpi slt, %sub3A_135, %sign3A_139 : i32
      %sign3A_141 = arith.extui %sign3A_140 : i1 to i32
      %sign3A_142 = arith.subi %sign3A_138, %sign3A_141 : i32
      %sign3A_143 = arith.constant 0 : i32
      %sign3A_144 = arith.cmpi sgt, %jit3A_136, %sign3A_143 : i32
      %sign3A_145 = arith.extui %sign3A_144 : i1 to i32
      %sign3A_146 = arith.constant 0 : i32
      %sign3A_147 = arith.cmpi slt, %jit3A_136, %sign3A_146 : i32
      %sign3A_148 = arith.extui %sign3A_147 : i1 to i32
      %sign3A_149 = arith.subi %sign3A_145, %sign3A_148 : i32
      %ne3A_150 = arith.cmpi ne, %sign3A_142, %sign3A_149 : i32
      %rem3A_151 = arith.remsi %sub3A_135, %jit3A_136 : i32
      %ne3A_152 = arith.constant 0 : i32
      %ne3A_153 = arith.cmpi ne, %rem3A_151, %ne3A_152 : i32
      %and3A_154 = arith.andi %ne3A_150, %ne3A_153 : i1
      %sub3A_155 = arith.constant 1 : i32
      %sub3A_156 = arith.subi %div3A, %sub3A_155 : i32
      %select_n3A_157 = arith.select %and3A_154, %sub3A_156, %div3A : i32
      %scan3A = arith.constant 0 : i32
      %lt3A_158 = arith.cmpi slt, %scan3A, %select_n3A_157 : i32
      %convert_element_type3A_159 = arith.extui %lt3A_158 : i1 to i32
      %cond3A_160 = arith.constant 0 : i32
      %cond3A_161 = arith.cmpi ne, %convert_element_type3A_159, %cond3A_160 : i32
      scf.if %cond3A_161 {
        %mul3A = arith.constant 256 : i32
        %mul3A_198 = arith.muli %scan3A, %mul3A : i32
        %mul3A_199 = arith.constant 256 : i32
        %mul3A_200 = arith.muli %scan3A, %mul3A_199 : i32
        %dma_start3A = arith.constant 0 : i32
        %dma_start3A_201 = arith.constant 0 : i32
        %dma_start3A_202 = tpu.memref_slice %arg6[%dma_start3A_201] : memref<2x!tpu.dma_semaphore, #tpu.memory_space<semaphore_mem>> -> memref<1x!tpu.dma_semaphore, #tpu.memory_space<semaphore_mem>>
        %dma_start3A_203 = tpu.memref_squeeze %dma_start3A_202 : memref<1x!tpu.dma_semaphore, #tpu.memory_space<semaphore_mem>> -> memref<!tpu.dma_semaphore, #tpu.memory_space<semaphore_mem>>
        %dma_start3A_204 = arith.constant 0 : i32
        %dma_start3A_205 = tpu.memref_slice %arg5[%dma_start3A, %mul3A_200, %dma_start3A_204] : memref<2x2048x1024xf32, #tpu.memory_space<vmem>> -> memref<1x256x1024xf32, #tpu.memory_space<vmem>>
        %dma_start3A_206 = tpu.memref_squeeze %dma_start3A_205 : memref<1x256x1024xf32, #tpu.memory_space<vmem>> -> memref<256x1024xf32, #tpu.memory_space<vmem>>
        %dma_start3A_207 = arith.constant 0 : i32
        %dma_start3A_208 = tpu.memref_slice %arg3[%arg0, %mul3A_198, %dma_start3A_207] : memref<16x2048x1024xf32, #tpu.memory_space<any>> -> memref<1x256x1024xf32, #tpu.memory_space<any>>
        %dma_start3A_209 = tpu.memref_squeeze %dma_start3A_208 : memref<1x256x1024xf32, #tpu.memory_space<any>> -> memref<256x1024xf32, #tpu.memory_space<any>>
        tpu.enqueue_dma source(%dma_start3A_209 : memref<256x1024xf32, #tpu.memory_space<any>>) target(%dma_start3A_206 : memref<256x1024xf32, #tpu.memory_space<vmem>>) target_semaphore(%dma_start3A_203 : memref<!tpu.dma_semaphore, #tpu.memory_space<semaphore_mem>>)
      } else {
      }
      %scan3A_162 = arith.constant 1 : i32
      %lt3A_163 = arith.cmpi slt, %scan3A_162, %select_n3A_157 : i32
      %convert_element_type3A_164 = arith.extui %lt3A_163 : i1 to i32
      %cond3A_165 = arith.constant 0 : i32
      %cond3A_166 = arith.cmpi ne, %convert_element_type3A_164, %cond3A_165 : i32
      scf.if %cond3A_166 {
        %mul3A = arith.constant 256 : i32
        %mul3A_198 = arith.muli %scan3A_162, %mul3A : i32
        %mul3A_199 = arith.constant 256 : i32
        %mul3A_200 = arith.muli %scan3A_162, %mul3A_199 : i32
        %dma_start3A = arith.constant 0 : i32
        %dma_start3A_201 = arith.constant 0 : i32
        %dma_start3A_202 = tpu.memref_slice %arg6[%dma_start3A_201] : memref<2x!tpu.dma_semaphore, #tpu.memory_space<semaphore_mem>> -> memref<1x!tpu.dma_semaphore, #tpu.memory_space<semaphore_mem>>
        %dma_start3A_203 = tpu.memref_squeeze %dma_start3A_202 : memref<1x!tpu.dma_semaphore, #tpu.memory_space<semaphore_mem>> -> memref<!tpu.dma_semaphore, #tpu.memory_space<semaphore_mem>>
        %dma_start3A_204 = arith.constant 0 : i32
        %dma_start3A_205 = tpu.memref_slice %arg5[%dma_start3A, %mul3A_200, %dma_start3A_204] : memref<2x2048x1024xf32, #tpu.memory_space<vmem>> -> memref<1x256x1024xf32, #tpu.memory_space<vmem>>
        %dma_start3A_206 = tpu.memref_squeeze %dma_start3A_205 : memref<1x256x1024xf32, #tpu.memory_space<vmem>> -> memref<256x1024xf32, #tpu.memory_space<vmem>>
        %dma_start3A_207 = arith.constant 0 : i32
        %dma_start3A_208 = tpu.memref_slice %arg3[%arg0, %mul3A_198, %dma_start3A_207] : memref<16x2048x1024xf32, #tpu.memory_space<any>> -> memref<1x256x1024xf32, #tpu.memory_space<any>>
        %dma_start3A_209 = tpu.memref_squeeze %dma_start3A_208 : memref<1x256x1024xf32, #tpu.memory_space<any>> -> memref<256x1024xf32, #tpu.memory_space<any>>
        tpu.enqueue_dma source(%dma_start3A_209 : memref<256x1024xf32, #tpu.memory_space<any>>) target(%dma_start3A_206 : memref<256x1024xf32, #tpu.memory_space<vmem>>) target_semaphore(%dma_start3A_203 : memref<!tpu.dma_semaphore, #tpu.memory_space<semaphore_mem>>)
      } else {
      }
      %scan3A_167 = arith.constant 2 : i32
      %lt3A_168 = arith.cmpi slt, %scan3A_167, %select_n3A_157 : i32
      %convert_element_type3A_169 = arith.extui %lt3A_168 : i1 to i32
      %cond3A_170 = arith.constant 0 : i32
      %cond3A_171 = arith.cmpi ne, %convert_element_type3A_169, %cond3A_170 : i32
      scf.if %cond3A_171 {
        %mul3A = arith.constant 256 : i32
        %mul3A_198 = arith.muli %scan3A_167, %mul3A : i32
        %mul3A_199 = arith.constant 256 : i32
        %mul3A_200 = arith.muli %scan3A_167, %mul3A_199 : i32
        %dma_start3A = arith.constant 0 : i32
        %dma_start3A_201 = arith.constant 0 : i32
        %dma_start3A_202 = tpu.memref_slice %arg6[%dma_start3A_201] : memref<2x!tpu.dma_semaphore, #tpu.memory_space<semaphore_mem>> -> memref<1x!tpu.dma_semaphore, #tpu.memory_space<semaphore_mem>>
        %dma_start3A_203 = tpu.memref_squeeze %dma_start3A_202 : memref<1x!tpu.dma_semaphore, #tpu.memory_space<semaphore_mem>> -> memref<!tpu.dma_semaphore, #tpu.memory_space<semaphore_mem>>
        %dma_start3A_204 = arith.constant 0 : i32
        %dma_start3A_205 = tpu.memref_slice %arg5[%dma_start3A, %mul3A_200, %dma_start3A_204] : memref<2x2048x1024xf32, #tpu.memory_space<vmem>> -> memref<1x256x1024xf32, #tpu.memory_space<vmem>>
        %dma_start3A_206 = tpu.memref_squeeze %dma_start3A_205 : memref<1x256x1024xf32, #tpu.memory_space<vmem>> -> memref<256x1024xf32, #tpu.memory_space<vmem>>
        %dma_start3A_207 = arith.constant 0 : i32
        %dma_start3A_208 = tpu.memref_slice %arg3[%arg0, %mul3A_198, %dma_start3A_207] : memref<16x2048x1024xf32, #tpu.memory_space<any>> -> memref<1x256x1024xf32, #tpu.memory_space<any>>
        %dma_start3A_209 = tpu.memref_squeeze %dma_start3A_208 : memref<1x256x1024xf32, #tpu.memory_space<any>> -> memref<256x1024xf32, #tpu.memory_space<any>>
        tpu.enqueue_dma source(%dma_start3A_209 : memref<256x1024xf32, #tpu.memory_space<any>>) target(%dma_start3A_206 : memref<256x1024xf32, #tpu.memory_space<vmem>>) target_semaphore(%dma_start3A_203 : memref<!tpu.dma_semaphore, #tpu.memory_space<semaphore_mem>>)
      } else {
      }
      %scan3A_172 = arith.constant 3 : i32
      %lt3A_173 = arith.cmpi slt, %scan3A_172, %select_n3A_157 : i32
      %convert_element_type3A_174 = arith.extui %lt3A_173 : i1 to i32
      %cond3A_175 = arith.constant 0 : i32
      %cond3A_176 = arith.cmpi ne, %convert_element_type3A_174, %cond3A_175 : i32
      scf.if %cond3A_176 {
        %mul3A = arith.constant 256 : i32
        %mul3A_198 = arith.muli %scan3A_172, %mul3A : i32
        %mul3A_199 = arith.constant 256 : i32
        %mul3A_200 = arith.muli %scan3A_172, %mul3A_199 : i32
        %dma_start3A = arith.constant 0 : i32
        %dma_start3A_201 = arith.constant 0 : i32
        %dma_start3A_202 = tpu.memref_slice %arg6[%dma_start3A_201] : memref<2x!tpu.dma_semaphore, #tpu.memory_space<semaphore_mem>> -> memref<1x!tpu.dma_semaphore, #tpu.memory_space<semaphore_mem>>
        %dma_start3A_203 = tpu.memref_squeeze %dma_start3A_202 : memref<1x!tpu.dma_semaphore, #tpu.memory_space<semaphore_mem>> -> memref<!tpu.dma_semaphore, #tpu.memory_space<semaphore_mem>>
        %dma_start3A_204 = arith.constant 0 : i32
        %dma_start3A_205 = tpu.memref_slice %arg5[%dma_start3A, %mul3A_200, %dma_start3A_204] : memref<2x2048x1024xf32, #tpu.memory_space<vmem>> -> memref<1x256x1024xf32, #tpu.memory_space<vmem>>
        %dma_start3A_206 = tpu.memref_squeeze %dma_start3A_205 : memref<1x256x1024xf32, #tpu.memory_space<vmem>> -> memref<256x1024xf32, #tpu.memory_space<vmem>>
        %dma_start3A_207 = arith.constant 0 : i32
        %dma_start3A_208 = tpu.memref_slice %arg3[%arg0, %mul3A_198, %dma_start3A_207] : memref<16x2048x1024xf32, #tpu.memory_space<any>> -> memref<1x256x1024xf32, #tpu.memory_space<any>>
        %dma_start3A_209 = tpu.memref_squeeze %dma_start3A_208 : memref<1x256x1024xf32, #tpu.memory_space<any>> -> memref<256x1024xf32, #tpu.memory_space<any>>
        tpu.enqueue_dma source(%dma_start3A_209 : memref<256x1024xf32, #tpu.memory_space<any>>) target(%dma_start3A_206 : memref<256x1024xf32, #tpu.memory_space<vmem>>) target_semaphore(%dma_start3A_203 : memref<!tpu.dma_semaphore, #tpu.memory_space<semaphore_mem>>)
      } else {
      }
      %scan3A_177 = arith.constant 4 : i32
      %lt3A_178 = arith.cmpi slt, %scan3A_177, %select_n3A_157 : i32
      %convert_element_type3A_179 = arith.extui %lt3A_178 : i1 to i32
      %cond3A_180 = arith.constant 0 : i32
      %cond3A_181 = arith.cmpi ne, %convert_element_type3A_179, %cond3A_180 : i32
      scf.if %cond3A_181 {
        %mul3A = arith.constant 256 : i32
        %mul3A_198 = arith.muli %scan3A_177, %mul3A : i32
        %mul3A_199 = arith.constant 256 : i32
        %mul3A_200 = arith.muli %scan3A_177, %mul3A_199 : i32
        %dma_start3A = arith.constant 0 : i32
        %dma_start3A_201 = arith.constant 0 : i32
        %dma_start3A_202 = tpu.memref_slice %arg6[%dma_start3A_201] : memref<2x!tpu.dma_semaphore, #tpu.memory_space<semaphore_mem>> -> memref<1x!tpu.dma_semaphore, #tpu.memory_space<semaphore_mem>>
        %dma_start3A_203 = tpu.memref_squeeze %dma_start3A_202 : memref<1x!tpu.dma_semaphore, #tpu.memory_space<semaphore_mem>> -> memref<!tpu.dma_semaphore, #tpu.memory_space<semaphore_mem>>
        %dma_start3A_204 = arith.constant 0 : i32
        %dma_start3A_205 = tpu.memref_slice %arg5[%dma_start3A, %mul3A_200, %dma_start3A_204] : memref<2x2048x1024xf32, #tpu.memory_space<vmem>> -> memref<1x256x1024xf32, #tpu.memory_space<vmem>>
        %dma_start3A_206 = tpu.memref_squeeze %dma_start3A_205 : memref<1x256x1024xf32, #tpu.memory_space<vmem>> -> memref<256x1024xf32, #tpu.memory_space<vmem>>
        %dma_start3A_207 = arith.constant 0 : i32
        %dma_start3A_208 = tpu.memref_slice %arg3[%arg0, %mul3A_198, %dma_start3A_207] : memref<16x2048x1024xf32, #tpu.memory_space<any>> -> memref<1x256x1024xf32, #tpu.memory_space<any>>
        %dma_start3A_209 = tpu.memref_squeeze %dma_start3A_208 : memref<1x256x1024xf32, #tpu.memory_space<any>> -> memref<256x1024xf32, #tpu.memory_space<any>>
        tpu.enqueue_dma source(%dma_start3A_209 : memref<256x1024xf32, #tpu.memory_space<any>>) target(%dma_start3A_206 : memref<256x1024xf32, #tpu.memory_space<vmem>>) target_semaphore(%dma_start3A_203 : memref<!tpu.dma_semaphore, #tpu.memory_space<semaphore_mem>>)
      } else {
      }
      %scan3A_182 = arith.constant 5 : i32
      %lt3A_183 = arith.cmpi slt, %scan3A_182, %select_n3A_157 : i32
      %convert_element_type3A_184 = arith.extui %lt3A_183 : i1 to i32
      %cond3A_185 = arith.constant 0 : i32
      %cond3A_186 = arith.cmpi ne, %convert_element_type3A_184, %cond3A_185 : i32
      scf.if %cond3A_186 {
        %mul3A = arith.constant 256 : i32
        %mul3A_198 = arith.muli %scan3A_182, %mul3A : i32
        %mul3A_199 = arith.constant 256 : i32
        %mul3A_200 = arith.muli %scan3A_182, %mul3A_199 : i32
        %dma_start3A = arith.constant 0 : i32
        %dma_start3A_201 = arith.constant 0 : i32
        %dma_start3A_202 = tpu.memref_slice %arg6[%dma_start3A_201] : memref<2x!tpu.dma_semaphore, #tpu.memory_space<semaphore_mem>> -> memref<1x!tpu.dma_semaphore, #tpu.memory_space<semaphore_mem>>
        %dma_start3A_203 = tpu.memref_squeeze %dma_start3A_202 : memref<1x!tpu.dma_semaphore, #tpu.memory_space<semaphore_mem>> -> memref<!tpu.dma_semaphore, #tpu.memory_space<semaphore_mem>>
        %dma_start3A_204 = arith.constant 0 : i32
        %dma_start3A_205 = tpu.memref_slice %arg5[%dma_start3A, %mul3A_200, %dma_start3A_204] : memref<2x2048x1024xf32, #tpu.memory_space<vmem>> -> memref<1x256x1024xf32, #tpu.memory_space<vmem>>
        %dma_start3A_206 = tpu.memref_squeeze %dma_start3A_205 : memref<1x256x1024xf32, #tpu.memory_space<vmem>> -> memref<256x1024xf32, #tpu.memory_space<vmem>>
        %dma_start3A_207 = arith.constant 0 : i32
        %dma_start3A_208 = tpu.memref_slice %arg3[%arg0, %mul3A_198, %dma_start3A_207] : memref<16x2048x1024xf32, #tpu.memory_space<any>> -> memref<1x256x1024xf32, #tpu.memory_space<any>>
        %dma_start3A_209 = tpu.memref_squeeze %dma_start3A_208 : memref<1x256x1024xf32, #tpu.memory_space<any>> -> memref<256x1024xf32, #tpu.memory_space<any>>
        tpu.enqueue_dma source(%dma_start3A_209 : memref<256x1024xf32, #tpu.memory_space<any>>) target(%dma_start3A_206 : memref<256x1024xf32, #tpu.memory_space<vmem>>) target_semaphore(%dma_start3A_203 : memref<!tpu.dma_semaphore, #tpu.memory_space<semaphore_mem>>)
      } else {
      }
      %scan3A_187 = arith.constant 6 : i32
      %lt3A_188 = arith.cmpi slt, %scan3A_187, %select_n3A_157 : i32
      %convert_element_type3A_189 = arith.extui %lt3A_188 : i1 to i32
      %cond3A_190 = arith.constant 0 : i32
      %cond3A_191 = arith.cmpi ne, %convert_element_type3A_189, %cond3A_190 : i32
      scf.if %cond3A_191 {
        %mul3A = arith.constant 256 : i32
        %mul3A_198 = arith.muli %scan3A_187, %mul3A : i32
        %mul3A_199 = arith.constant 256 : i32
        %mul3A_200 = arith.muli %scan3A_187, %mul3A_199 : i32
        %dma_start3A = arith.constant 0 : i32
        %dma_start3A_201 = arith.constant 0 : i32
        %dma_start3A_202 = tpu.memref_slice %arg6[%dma_start3A_201] : memref<2x!tpu.dma_semaphore, #tpu.memory_space<semaphore_mem>> -> memref<1x!tpu.dma_semaphore, #tpu.memory_space<semaphore_mem>>
        %dma_start3A_203 = tpu.memref_squeeze %dma_start3A_202 : memref<1x!tpu.dma_semaphore, #tpu.memory_space<semaphore_mem>> -> memref<!tpu.dma_semaphore, #tpu.memory_space<semaphore_mem>>
        %dma_start3A_204 = arith.constant 0 : i32
        %dma_start3A_205 = tpu.memref_slice %arg5[%dma_start3A, %mul3A_200, %dma_start3A_204] : memref<2x2048x1024xf32, #tpu.memory_space<vmem>> -> memref<1x256x1024xf32, #tpu.memory_space<vmem>>
        %dma_start3A_206 = tpu.memref_squeeze %dma_start3A_205 : memref<1x256x1024xf32, #tpu.memory_space<vmem>> -> memref<256x1024xf32, #tpu.memory_space<vmem>>
        %dma_start3A_207 = arith.constant 0 : i32
        %dma_start3A_208 = tpu.memref_slice %arg3[%arg0, %mul3A_198, %dma_start3A_207] : memref<16x2048x1024xf32, #tpu.memory_space<any>> -> memref<1x256x1024xf32, #tpu.memory_space<any>>
        %dma_start3A_209 = tpu.memref_squeeze %dma_start3A_208 : memref<1x256x1024xf32, #tpu.memory_space<any>> -> memref<256x1024xf32, #tpu.memory_space<any>>
        tpu.enqueue_dma source(%dma_start3A_209 : memref<256x1024xf32, #tpu.memory_space<any>>) target(%dma_start3A_206 : memref<256x1024xf32, #tpu.memory_space<vmem>>) target_semaphore(%dma_start3A_203 : memref<!tpu.dma_semaphore, #tpu.memory_space<semaphore_mem>>)
      } else {
      }
      %scan3A_192 = arith.constant 7 : i32
      %lt3A_193 = arith.cmpi slt, %scan3A_192, %select_n3A_157 : i32
      %convert_element_type3A_194 = arith.extui %lt3A_193 : i1 to i32
      %cond3A_195 = arith.constant 0 : i32
      %cond3A_196 = arith.cmpi ne, %convert_element_type3A_194, %cond3A_195 : i32
      scf.if %cond3A_196 {
        %mul3A = arith.constant 256 : i32
        %mul3A_198 = arith.muli %scan3A_192, %mul3A : i32
        %mul3A_199 = arith.constant 256 : i32
        %mul3A_200 = arith.muli %scan3A_192, %mul3A_199 : i32
        %dma_start3A = arith.constant 0 : i32
        %dma_start3A_201 = arith.constant 0 : i32
        %dma_start3A_202 = tpu.memref_slice %arg6[%dma_start3A_201] : memref<2x!tpu.dma_semaphore, #tpu.memory_space<semaphore_mem>> -> memref<1x!tpu.dma_semaphore, #tpu.memory_space<semaphore_mem>>
        %dma_start3A_203 = tpu.memref_squeeze %dma_start3A_202 : memref<1x!tpu.dma_semaphore, #tpu.memory_space<semaphore_mem>> -> memref<!tpu.dma_semaphore, #tpu.memory_space<semaphore_mem>>
        %dma_start3A_204 = arith.constant 0 : i32
        %dma_start3A_205 = tpu.memref_slice %arg5[%dma_start3A, %mul3A_200, %dma_start3A_204] : memref<2x2048x1024xf32, #tpu.memory_space<vmem>> -> memref<1x256x1024xf32, #tpu.memory_space<vmem>>
        %dma_start3A_206 = tpu.memref_squeeze %dma_start3A_205 : memref<1x256x1024xf32, #tpu.memory_space<vmem>> -> memref<256x1024xf32, #tpu.memory_space<vmem>>
        %dma_start3A_207 = arith.constant 0 : i32
        %dma_start3A_208 = tpu.memref_slice %arg3[%arg0, %mul3A_198, %dma_start3A_207] : memref<16x2048x1024xf32, #tpu.memory_space<any>> -> memref<1x256x1024xf32, #tpu.memory_space<any>>
        %dma_start3A_209 = tpu.memref_squeeze %dma_start3A_208 : memref<1x256x1024xf32, #tpu.memory_space<any>> -> memref<256x1024xf32, #tpu.memory_space<any>>
        tpu.enqueue_dma source(%dma_start3A_209 : memref<256x1024xf32, #tpu.memory_space<any>>) target(%dma_start3A_206 : memref<256x1024xf32, #tpu.memory_space<vmem>>) target_semaphore(%dma_start3A_203 : memref<!tpu.dma_semaphore, #tpu.memory_space<semaphore_mem>>)
      } else {
      }
      %scan3A_197 = arith.constant 8 : i32
    } else {
    }
    %add3A = arith.constant 1 : i32
    %add3A_2 = arith.addi %arg0, %add3A : i32
    %lt3A = arith.constant 16 : i32
    %lt3A_3 = arith.cmpi slt, %add3A_2, %lt3A : i32
    %jit3A = arith.constant 2 : i32
    %eq3A_4 = arith.constant 0 : i32
    %eq3A_5 = arith.cmpi eq, %jit3A, %eq3A_4 : i32
    %jit3A_6 = arith.constant 1 : i32
    %select_n3A = arith.select %eq3A_5, %jit3A_6, %jit3A : i32
    %rem3A = arith.remsi %add3A_2, %select_n3A : i32
    %ne3A = arith.constant 0 : i32
    %ne3A_7 = arith.cmpi ne, %rem3A, %ne3A : i32
    %lt3A_8 = arith.constant 0 : i32
    %lt3A_9 = arith.cmpi slt, %rem3A, %lt3A_8 : i32
    %lt3A_10 = arith.constant 0 : i32
    %lt3A_11 = arith.cmpi slt, %select_n3A, %lt3A_10 : i32
    %ne3A_12 = arith.xori %lt3A_9, %lt3A_11 : i1
    %and3A = arith.andi %ne3A_12, %ne3A_7 : i1
    %add3A_13 = arith.addi %rem3A, %select_n3A : i32
    %select_n3A_14 = arith.select %and3A, %add3A_13, %rem3A : i32
    %eq3A_15 = arith.constant 0 : i32
    %eq3A_16 = arith.cmpi eq, %select_n3A_14, %eq3A_15 : i32
    %and3A_17 = arith.andi %lt3A_3, %eq3A_16 : i1
    %convert_element_type3A_18 = arith.extui %and3A_17 : i1 to i32
    %cond3A_19 = arith.constant 0 : i32
    %cond3A_20 = arith.cmpi ne, %convert_element_type3A_18, %cond3A_19 : i32
    scf.if %cond3A_20 {
      %get3A_131 = arith.index_cast %add3A_2 : i32 to index
      %get3A_132 = memref.load %arg1[%get3A_131] : memref<16xi32, #tpu.memory_space<smem>>
      %add3A_133 = arith.constant 256 : i32
      %add3A_134 = arith.addi %get3A_132, %add3A_133 : i32
      %sub3A = arith.constant 1 : i32
      %sub3A_135 = arith.subi %add3A_134, %sub3A : i32
      %jit3A_136 = arith.constant 256 : i32
      %div3A = arith.divsi %sub3A_135, %jit3A_136 : i32
      %sign3A = arith.constant 0 : i32
      %sign3A_137 = arith.cmpi sgt, %sub3A_135, %sign3A : i32
      %sign3A_138 = arith.extui %sign3A_137 : i1 to i32
      %sign3A_139 = arith.constant 0 : i32
      %sign3A_140 = arith.cmpi slt, %sub3A_135, %sign3A_139 : i32
      %sign3A_141 = arith.extui %sign3A_140 : i1 to i32
      %sign3A_142 = arith.subi %sign3A_138, %sign3A_141 : i32
      %sign3A_143 = arith.constant 0 : i32
      %sign3A_144 = arith.cmpi sgt, %jit3A_136, %sign3A_143 : i32
      %sign3A_145 = arith.extui %sign3A_144 : i1 to i32
      %sign3A_146 = arith.constant 0 : i32
      %sign3A_147 = arith.cmpi slt, %jit3A_136, %sign3A_146 : i32
      %sign3A_148 = arith.extui %sign3A_147 : i1 to i32
      %sign3A_149 = arith.subi %sign3A_145, %sign3A_148 : i32
      %ne3A_150 = arith.cmpi ne, %sign3A_142, %sign3A_149 : i32
      %rem3A_151 = arith.remsi %sub3A_135, %jit3A_136 : i32
      %ne3A_152 = arith.constant 0 : i32
      %ne3A_153 = arith.cmpi ne, %rem3A_151, %ne3A_152 : i32
      %and3A_154 = arith.andi %ne3A_150, %ne3A_153 : i1
      %sub3A_155 = arith.constant 1 : i32
      %sub3A_156 = arith.subi %div3A, %sub3A_155 : i32
      %select_n3A_157 = arith.select %and3A_154, %sub3A_156, %div3A : i32
      %scan3A = arith.constant 0 : i32
      %lt3A_158 = arith.cmpi slt, %scan3A, %select_n3A_157 : i32
      %convert_element_type3A_159 = arith.extui %lt3A_158 : i1 to i32
      %cond3A_160 = arith.constant 0 : i32
      %cond3A_161 = arith.cmpi ne, %convert_element_type3A_159, %cond3A_160 : i32
      scf.if %cond3A_161 {
        %mul3A = arith.constant 256 : i32
        %mul3A_198 = arith.muli %scan3A, %mul3A : i32
        %mul3A_199 = arith.constant 256 : i32
        %mul3A_200 = arith.muli %scan3A, %mul3A_199 : i32
        %dma_start3A = arith.constant 0 : i32
        %dma_start3A_201 = arith.constant 0 : i32
        %dma_start3A_202 = tpu.memref_slice %arg6[%dma_start3A_201] : memref<2x!tpu.dma_semaphore, #tpu.memory_space<semaphore_mem>> -> memref<1x!tpu.dma_semaphore, #tpu.memory_space<semaphore_mem>>
        %dma_start3A_203 = tpu.memref_squeeze %dma_start3A_202 : memref<1x!tpu.dma_semaphore, #tpu.memory_space<semaphore_mem>> -> memref<!tpu.dma_semaphore, #tpu.memory_space<semaphore_mem>>
        %dma_start3A_204 = arith.constant 0 : i32
        %dma_start3A_205 = tpu.memref_slice %arg5[%dma_start3A, %mul3A_200, %dma_start3A_204] : memref<2x2048x1024xf32, #tpu.memory_space<vmem>> -> memref<1x256x1024xf32, #tpu.memory_space<vmem>>
        %dma_start3A_206 = tpu.memref_squeeze %dma_start3A_205 : memref<1x256x1024xf32, #tpu.memory_space<vmem>> -> memref<256x1024xf32, #tpu.memory_space<vmem>>
        %dma_start3A_207 = arith.constant 0 : i32
        %dma_start3A_208 = tpu.memref_slice %arg3[%add3A_2, %mul3A_198, %dma_start3A_207] : memref<16x2048x1024xf32, #tpu.memory_space<any>> -> memref<1x256x1024xf32, #tpu.memory_space<any>>
        %dma_start3A_209 = tpu.memref_squeeze %dma_start3A_208 : memref<1x256x1024xf32, #tpu.memory_space<any>> -> memref<256x1024xf32, #tpu.memory_space<any>>
        tpu.enqueue_dma source(%dma_start3A_209 : memref<256x1024xf32, #tpu.memory_space<any>>) target(%dma_start3A_206 : memref<256x1024xf32, #tpu.memory_space<vmem>>) target_semaphore(%dma_start3A_203 : memref<!tpu.dma_semaphore, #tpu.memory_space<semaphore_mem>>)
      } else {
      }
      %scan3A_162 = arith.constant 1 : i32
      %lt3A_163 = arith.cmpi slt, %scan3A_162, %select_n3A_157 : i32
      %convert_element_type3A_164 = arith.extui %lt3A_163 : i1 to i32
      %cond3A_165 = arith.constant 0 : i32
      %cond3A_166 = arith.cmpi ne, %convert_element_type3A_164, %cond3A_165 : i32
      scf.if %cond3A_166 {
        %mul3A = arith.constant 256 : i32
        %mul3A_198 = arith.muli %scan3A_162, %mul3A : i32
        %mul3A_199 = arith.constant 256 : i32
        %mul3A_200 = arith.muli %scan3A_162, %mul3A_199 : i32
        %dma_start3A = arith.constant 0 : i32
        %dma_start3A_201 = arith.constant 0 : i32
        %dma_start3A_202 = tpu.memref_slice %arg6[%dma_start3A_201] : memref<2x!tpu.dma_semaphore, #tpu.memory_space<semaphore_mem>> -> memref<1x!tpu.dma_semaphore, #tpu.memory_space<semaphore_mem>>
        %dma_start3A_203 = tpu.memref_squeeze %dma_start3A_202 : memref<1x!tpu.dma_semaphore, #tpu.memory_space<semaphore_mem>> -> memref<!tpu.dma_semaphore, #tpu.memory_space<semaphore_mem>>
        %dma_start3A_204 = arith.constant 0 : i32
        %dma_start3A_205 = tpu.memref_slice %arg5[%dma_start3A, %mul3A_200, %dma_start3A_204] : memref<2x2048x1024xf32, #tpu.memory_space<vmem>> -> memref<1x256x1024xf32, #tpu.memory_space<vmem>>
        %dma_start3A_206 = tpu.memref_squeeze %dma_start3A_205 : memref<1x256x1024xf32, #tpu.memory_space<vmem>> -> memref<256x1024xf32, #tpu.memory_space<vmem>>
        %dma_start3A_207 = arith.constant 0 : i32
        %dma_start3A_208 = tpu.memref_slice %arg3[%add3A_2, %mul3A_198, %dma_start3A_207] : memref<16x2048x1024xf32, #tpu.memory_space<any>> -> memref<1x256x1024xf32, #tpu.memory_space<any>>
        %dma_start3A_209 = tpu.memref_squeeze %dma_start3A_208 : memref<1x256x1024xf32, #tpu.memory_space<any>> -> memref<256x1024xf32, #tpu.memory_space<any>>
        tpu.enqueue_dma source(%dma_start3A_209 : memref<256x1024xf32, #tpu.memory_space<any>>) target(%dma_start3A_206 : memref<256x1024xf32, #tpu.memory_space<vmem>>) target_semaphore(%dma_start3A_203 : memref<!tpu.dma_semaphore, #tpu.memory_space<semaphore_mem>>)
      } else {
      }
      %scan3A_167 = arith.constant 2 : i32
      %lt3A_168 = arith.cmpi slt, %scan3A_167, %select_n3A_157 : i32
      %convert_element_type3A_169 = arith.extui %lt3A_168 : i1 to i32
      %cond3A_170 = arith.constant 0 : i32
      %cond3A_171 = arith.cmpi ne, %convert_element_type3A_169, %cond3A_170 : i32
      scf.if %cond3A_171 {
        %mul3A = arith.constant 256 : i32
        %mul3A_198 = arith.muli %scan3A_167, %mul3A : i32
        %mul3A_199 = arith.constant 256 : i32
        %mul3A_200 = arith.muli %scan3A_167, %mul3A_199 : i32
        %dma_start3A = arith.constant 0 : i32
        %dma_start3A_201 = arith.constant 0 : i32
        %dma_start3A_202 = tpu.memref_slice %arg6[%dma_start3A_201] : memref<2x!tpu.dma_semaphore, #tpu.memory_space<semaphore_mem>> -> memref<1x!tpu.dma_semaphore, #tpu.memory_space<semaphore_mem>>
        %dma_start3A_203 = tpu.memref_squeeze %dma_start3A_202 : memref<1x!tpu.dma_semaphore, #tpu.memory_space<semaphore_mem>> -> memref<!tpu.dma_semaphore, #tpu.memory_space<semaphore_mem>>
        %dma_start3A_204 = arith.constant 0 : i32
        %dma_start3A_205 = tpu.memref_slice %arg5[%dma_start3A, %mul3A_200, %dma_start3A_204] : memref<2x2048x1024xf32, #tpu.memory_space<vmem>> -> memref<1x256x1024xf32, #tpu.memory_space<vmem>>
        %dma_start3A_206 = tpu.memref_squeeze %dma_start3A_205 : memref<1x256x1024xf32, #tpu.memory_space<vmem>> -> memref<256x1024xf32, #tpu.memory_space<vmem>>
        %dma_start3A_207 = arith.constant 0 : i32
        %dma_start3A_208 = tpu.memref_slice %arg3[%add3A_2, %mul3A_198, %dma_start3A_207] : memref<16x2048x1024xf32, #tpu.memory_space<any>> -> memref<1x256x1024xf32, #tpu.memory_space<any>>
        %dma_start3A_209 = tpu.memref_squeeze %dma_start3A_208 : memref<1x256x1024xf32, #tpu.memory_space<any>> -> memref<256x1024xf32, #tpu.memory_space<any>>
        tpu.enqueue_dma source(%dma_start3A_209 : memref<256x1024xf32, #tpu.memory_space<any>>) target(%dma_start3A_206 : memref<256x1024xf32, #tpu.memory_space<vmem>>) target_semaphore(%dma_start3A_203 : memref<!tpu.dma_semaphore, #tpu.memory_space<semaphore_mem>>)
      } else {
      }
      %scan3A_172 = arith.constant 3 : i32
      %lt3A_173 = arith.cmpi slt, %scan3A_172, %select_n3A_157 : i32
      %convert_element_type3A_174 = arith.extui %lt3A_173 : i1 to i32
      %cond3A_175 = arith.constant 0 : i32
      %cond3A_176 = arith.cmpi ne, %convert_element_type3A_174, %cond3A_175 : i32
      scf.if %cond3A_176 {
        %mul3A = arith.constant 256 : i32
        %mul3A_198 = arith.muli %scan3A_172, %mul3A : i32
        %mul3A_199 = arith.constant 256 : i32
        %mul3A_200 = arith.muli %scan3A_172, %mul3A_199 : i32
        %dma_start3A = arith.constant 0 : i32
        %dma_start3A_201 = arith.constant 0 : i32
        %dma_start3A_202 = tpu.memref_slice %arg6[%dma_start3A_201] : memref<2x!tpu.dma_semaphore, #tpu.memory_space<semaphore_mem>> -> memref<1x!tpu.dma_semaphore, #tpu.memory_space<semaphore_mem>>
        %dma_start3A_203 = tpu.memref_squeeze %dma_start3A_202 : memref<1x!tpu.dma_semaphore, #tpu.memory_space<semaphore_mem>> -> memref<!tpu.dma_semaphore, #tpu.memory_space<semaphore_mem>>
        %dma_start3A_204 = arith.constant 0 : i32
        %dma_start3A_205 = tpu.memref_slice %arg5[%dma_start3A, %mul3A_200, %dma_start3A_204] : memref<2x2048x1024xf32, #tpu.memory_space<vmem>> -> memref<1x256x1024xf32, #tpu.memory_space<vmem>>
        %dma_start3A_206 = tpu.memref_squeeze %dma_start3A_205 : memref<1x256x1024xf32, #tpu.memory_space<vmem>> -> memref<256x1024xf32, #tpu.memory_space<vmem>>
        %dma_start3A_207 = arith.constant 0 : i32
        %dma_start3A_208 = tpu.memref_slice %arg3[%add3A_2, %mul3A_198, %dma_start3A_207] : memref<16x2048x1024xf32, #tpu.memory_space<any>> -> memref<1x256x1024xf32, #tpu.memory_space<any>>
        %dma_start3A_209 = tpu.memref_squeeze %dma_start3A_208 : memref<1x256x1024xf32, #tpu.memory_space<any>> -> memref<256x1024xf32, #tpu.memory_space<any>>
        tpu.enqueue_dma source(%dma_start3A_209 : memref<256x1024xf32, #tpu.memory_space<any>>) target(%dma_start3A_206 : memref<256x1024xf32, #tpu.memory_space<vmem>>) target_semaphore(%dma_start3A_203 : memref<!tpu.dma_semaphore, #tpu.memory_space<semaphore_mem>>)
      } else {
      }
      %scan3A_177 = arith.constant 4 : i32
      %lt3A_178 = arith.cmpi slt, %scan3A_177, %select_n3A_157 : i32
      %convert_element_type3A_179 = arith.extui %lt3A_178 : i1 to i32
      %cond3A_180 = arith.constant 0 : i32
      %cond3A_181 = arith.cmpi ne, %convert_element_type3A_179, %cond3A_180 : i32
      scf.if %cond3A_181 {
        %mul3A = arith.constant 256 : i32
        %mul3A_198 = arith.muli %scan3A_177, %mul3A : i32
        %mul3A_199 = arith.constant 256 : i32
        %mul3A_200 = arith.muli %scan3A_177, %mul3A_199 : i32
        %dma_start3A = arith.constant 0 : i32
        %dma_start3A_201 = arith.constant 0 : i32
        %dma_start3A_202 = tpu.memref_slice %arg6[%dma_start3A_201] : memref<2x!tpu.dma_semaphore, #tpu.memory_space<semaphore_mem>> -> memref<1x!tpu.dma_semaphore, #tpu.memory_space<semaphore_mem>>
        %dma_start3A_203 = tpu.memref_squeeze %dma_start3A_202 : memref<1x!tpu.dma_semaphore, #tpu.memory_space<semaphore_mem>> -> memref<!tpu.dma_semaphore, #tpu.memory_space<semaphore_mem>>
        %dma_start3A_204 = arith.constant 0 : i32
        %dma_start3A_205 = tpu.memref_slice %arg5[%dma_start3A, %mul3A_200, %dma_start3A_204] : memref<2x2048x1024xf32, #tpu.memory_space<vmem>> -> memref<1x256x1024xf32, #tpu.memory_space<vmem>>
        %dma_start3A_206 = tpu.memref_squeeze %dma_start3A_205 : memref<1x256x1024xf32, #tpu.memory_space<vmem>> -> memref<256x1024xf32, #tpu.memory_space<vmem>>
        %dma_start3A_207 = arith.constant 0 : i32
        %dma_start3A_208 = tpu.memref_slice %arg3[%add3A_2, %mul3A_198, %dma_start3A_207] : memref<16x2048x1024xf32, #tpu.memory_space<any>> -> memref<1x256x1024xf32, #tpu.memory_space<any>>
        %dma_start3A_209 = tpu.memref_squeeze %dma_start3A_208 : memref<1x256x1024xf32, #tpu.memory_space<any>> -> memref<256x1024xf32, #tpu.memory_space<any>>
        tpu.enqueue_dma source(%dma_start3A_209 : memref<256x1024xf32, #tpu.memory_space<any>>) target(%dma_start3A_206 : memref<256x1024xf32, #tpu.memory_space<vmem>>) target_semaphore(%dma_start3A_203 : memref<!tpu.dma_semaphore, #tpu.memory_space<semaphore_mem>>)
      } else {
      }
      %scan3A_182 = arith.constant 5 : i32
      %lt3A_183 = arith.cmpi slt, %scan3A_182, %select_n3A_157 : i32
      %convert_element_type3A_184 = arith.extui %lt3A_183 : i1 to i32
      %cond3A_185 = arith.constant 0 : i32
      %cond3A_186 = arith.cmpi ne, %convert_element_type3A_184, %cond3A_185 : i32
      scf.if %cond3A_186 {
        %mul3A = arith.constant 256 : i32
        %mul3A_198 = arith.muli %scan3A_182, %mul3A : i32
        %mul3A_199 = arith.constant 256 : i32
        %mul3A_200 = arith.muli %scan3A_182, %mul3A_199 : i32
        %dma_start3A = arith.constant 0 : i32
        %dma_start3A_201 = arith.constant 0 : i32
        %dma_start3A_202 = tpu.memref_slice %arg6[%dma_start3A_201] : memref<2x!tpu.dma_semaphore, #tpu.memory_space<semaphore_mem>> -> memref<1x!tpu.dma_semaphore, #tpu.memory_space<semaphore_mem>>
        %dma_start3A_203 = tpu.memref_squeeze %dma_start3A_202 : memref<1x!tpu.dma_semaphore, #tpu.memory_space<semaphore_mem>> -> memref<!tpu.dma_semaphore, #tpu.memory_space<semaphore_mem>>
        %dma_start3A_204 = arith.constant 0 : i32
        %dma_start3A_205 = tpu.memref_slice %arg5[%dma_start3A, %mul3A_200, %dma_start3A_204] : memref<2x2048x1024xf32, #tpu.memory_space<vmem>> -> memref<1x256x1024xf32, #tpu.memory_space<vmem>>
        %dma_start3A_206 = tpu.memref_squeeze %dma_start3A_205 : memref<1x256x1024xf32, #tpu.memory_space<vmem>> -> memref<256x1024xf32, #tpu.memory_space<vmem>>
        %dma_start3A_207 = arith.constant 0 : i32
        %dma_start3A_208 = tpu.memref_slice %arg3[%add3A_2, %mul3A_198, %dma_start3A_207] : memref<16x2048x1024xf32, #tpu.memory_space<any>> -> memref<1x256x1024xf32, #tpu.memory_space<any>>
        %dma_start3A_209 = tpu.memref_squeeze %dma_start3A_208 : memref<1x256x1024xf32, #tpu.memory_space<any>> -> memref<256x1024xf32, #tpu.memory_space<any>>
        tpu.enqueue_dma source(%dma_start3A_209 : memref<256x1024xf32, #tpu.memory_space<any>>) target(%dma_start3A_206 : memref<256x1024xf32, #tpu.memory_space<vmem>>) target_semaphore(%dma_start3A_203 : memref<!tpu.dma_semaphore, #tpu.memory_space<semaphore_mem>>)
      } else {
      }
      %scan3A_187 = arith.constant 6 : i32
      %lt3A_188 = arith.cmpi slt, %scan3A_187, %select_n3A_157 : i32
      %convert_element_type3A_189 = arith.extui %lt3A_188 : i1 to i32
      %cond3A_190 = arith.constant 0 : i32
      %cond3A_191 = arith.cmpi ne, %convert_element_type3A_189, %cond3A_190 : i32
      scf.if %cond3A_191 {
        %mul3A = arith.constant 256 : i32
        %mul3A_198 = arith.muli %scan3A_187, %mul3A : i32
        %mul3A_199 = arith.constant 256 : i32
        %mul3A_200 = arith.muli %scan3A_187, %mul3A_199 : i32
        %dma_start3A = arith.constant 0 : i32
        %dma_start3A_201 = arith.constant 0 : i32
        %dma_start3A_202 = tpu.memref_slice %arg6[%dma_start3A_201] : memref<2x!tpu.dma_semaphore, #tpu.memory_space<semaphore_mem>> -> memref<1x!tpu.dma_semaphore, #tpu.memory_space<semaphore_mem>>
        %dma_start3A_203 = tpu.memref_squeeze %dma_start3A_202 : memref<1x!tpu.dma_semaphore, #tpu.memory_space<semaphore_mem>> -> memref<!tpu.dma_semaphore, #tpu.memory_space<semaphore_mem>>
        %dma_start3A_204 = arith.constant 0 : i32
        %dma_start3A_205 = tpu.memref_slice %arg5[%dma_start3A, %mul3A_200, %dma_start3A_204] : memref<2x2048x1024xf32, #tpu.memory_space<vmem>> -> memref<1x256x1024xf32, #tpu.memory_space<vmem>>
        %dma_start3A_206 = tpu.memref_squeeze %dma_start3A_205 : memref<1x256x1024xf32, #tpu.memory_space<vmem>> -> memref<256x1024xf32, #tpu.memory_space<vmem>>
        %dma_start3A_207 = arith.constant 0 : i32
        %dma_start3A_208 = tpu.memref_slice %arg3[%add3A_2, %mul3A_198, %dma_start3A_207] : memref<16x2048x1024xf32, #tpu.memory_space<any>> -> memref<1x256x1024xf32, #tpu.memory_space<any>>
        %dma_start3A_209 = tpu.memref_squeeze %dma_start3A_208 : memref<1x256x1024xf32, #tpu.memory_space<any>> -> memref<256x1024xf32, #tpu.memory_space<any>>
        tpu.enqueue_dma source(%dma_start3A_209 : memref<256x1024xf32, #tpu.memory_space<any>>) target(%dma_start3A_206 : memref<256x1024xf32, #tpu.memory_space<vmem>>) target_semaphore(%dma_start3A_203 : memref<!tpu.dma_semaphore, #tpu.memory_space<semaphore_mem>>)
      } else {
      }
      %scan3A_192 = arith.constant 7 : i32
      %lt3A_193 = arith.cmpi slt, %scan3A_192, %select_n3A_157 : i32
      %convert_element_type3A_194 = arith.extui %lt3A_193 : i1 to i32
      %cond3A_195 = arith.constant 0 : i32
      %cond3A_196 = arith.cmpi ne, %convert_element_type3A_194, %cond3A_195 : i32
      scf.if %cond3A_196 {
        %mul3A = arith.constant 256 : i32
        %mul3A_198 = arith.muli %scan3A_192, %mul3A : i32
        %mul3A_199 = arith.constant 256 : i32
        %mul3A_200 = arith.muli %scan3A_192, %mul3A_199 : i32
        %dma_start3A = arith.constant 0 : i32
        %dma_start3A_201 = arith.constant 0 : i32
        %dma_start3A_202 = tpu.memref_slice %arg6[%dma_start3A_201] : memref<2x!tpu.dma_semaphore, #tpu.memory_space<semaphore_mem>> -> memref<1x!tpu.dma_semaphore, #tpu.memory_space<semaphore_mem>>
        %dma_start3A_203 = tpu.memref_squeeze %dma_start3A_202 : memref<1x!tpu.dma_semaphore, #tpu.memory_space<semaphore_mem>> -> memref<!tpu.dma_semaphore, #tpu.memory_space<semaphore_mem>>
        %dma_start3A_204 = arith.constant 0 : i32
        %dma_start3A_205 = tpu.memref_slice %arg5[%dma_start3A, %mul3A_200, %dma_start3A_204] : memref<2x2048x1024xf32, #tpu.memory_space<vmem>> -> memref<1x256x1024xf32, #tpu.memory_space<vmem>>
        %dma_start3A_206 = tpu.memref_squeeze %dma_start3A_205 : memref<1x256x1024xf32, #tpu.memory_space<vmem>> -> memref<256x1024xf32, #tpu.memory_space<vmem>>
        %dma_start3A_207 = arith.constant 0 : i32
        %dma_start3A_208 = tpu.memref_slice %arg3[%add3A_2, %mul3A_198, %dma_start3A_207] : memref<16x2048x1024xf32, #tpu.memory_space<any>> -> memref<1x256x1024xf32, #tpu.memory_space<any>>
        %dma_start3A_209 = tpu.memref_squeeze %dma_start3A_208 : memref<1x256x1024xf32, #tpu.memory_space<any>> -> memref<256x1024xf32, #tpu.memory_space<any>>
        tpu.enqueue_dma source(%dma_start3A_209 : memref<256x1024xf32, #tpu.memory_space<any>>) target(%dma_start3A_206 : memref<256x1024xf32, #tpu.memory_space<vmem>>) target_semaphore(%dma_start3A_203 : memref<!tpu.dma_semaphore, #tpu.memory_space<semaphore_mem>>)
      } else {
      }
      %scan3A_197 = arith.constant 8 : i32
    } else {
    }
    %lt3A_21 = arith.constant 16 : i32
    %lt3A_22 = arith.cmpi slt, %add3A_2, %lt3A_21 : i32
    %jit3A_23 = arith.constant 2 : i32
    %eq3A_24 = arith.constant 0 : i32
    %eq3A_25 = arith.cmpi eq, %jit3A_23, %eq3A_24 : i32
    %jit3A_26 = arith.constant 1 : i32
    %select_n3A_27 = arith.select %eq3A_25, %jit3A_26, %jit3A_23 : i32
    %rem3A_28 = arith.remsi %add3A_2, %select_n3A_27 : i32
    %ne3A_29 = arith.constant 0 : i32
    %ne3A_30 = arith.cmpi ne, %rem3A_28, %ne3A_29 : i32
    %lt3A_31 = arith.constant 0 : i32
    %lt3A_32 = arith.cmpi slt, %rem3A_28, %lt3A_31 : i32
    %lt3A_33 = arith.constant 0 : i32
    %lt3A_34 = arith.cmpi slt, %select_n3A_27, %lt3A_33 : i32
    %ne3A_35 = arith.xori %lt3A_32, %lt3A_34 : i1
    %and3A_36 = arith.andi %ne3A_35, %ne3A_30 : i1
    %add3A_37 = arith.addi %rem3A_28, %select_n3A_27 : i32
    %select_n3A_38 = arith.select %and3A_36, %add3A_37, %rem3A_28 : i32
    %eq3A_39 = arith.constant 1 : i32
    %eq3A_40 = arith.cmpi eq, %select_n3A_38, %eq3A_39 : i32
    %and3A_41 = arith.andi %lt3A_22, %eq3A_40 : i1
    %convert_element_type3A_42 = arith.extui %and3A_41 : i1 to i32
    %cond3A_43 = arith.constant 0 : i32
    %cond3A_44 = arith.cmpi ne, %convert_element_type3A_42, %cond3A_43 : i32
    scf.if %cond3A_44 {
      %get3A_131 = arith.index_cast %add3A_2 : i32 to index
      %get3A_132 = memref.load %arg1[%get3A_131] : memref<16xi32, #tpu.memory_space<smem>>
      %add3A_133 = arith.constant 256 : i32
      %add3A_134 = arith.addi %get3A_132, %add3A_133 : i32
      %sub3A = arith.constant 1 : i32
      %sub3A_135 = arith.subi %add3A_134, %sub3A : i32
      %jit3A_136 = arith.constant 256 : i32
      %div3A = arith.divsi %sub3A_135, %jit3A_136 : i32
      %sign3A = arith.constant 0 : i32
      %sign3A_137 = arith.cmpi sgt, %sub3A_135, %sign3A : i32
      %sign3A_138 = arith.extui %sign3A_137 : i1 to i32
      %sign3A_139 = arith.constant 0 : i32
      %sign3A_140 = arith.cmpi slt, %sub3A_135, %sign3A_139 : i32
      %sign3A_141 = arith.extui %sign3A_140 : i1 to i32
      %sign3A_142 = arith.subi %sign3A_138, %sign3A_141 : i32
      %sign3A_143 = arith.constant 0 : i32
      %sign3A_144 = arith.cmpi sgt, %jit3A_136, %sign3A_143 : i32
      %sign3A_145 = arith.extui %sign3A_144 : i1 to i32
      %sign3A_146 = arith.constant 0 : i32
      %sign3A_147 = arith.cmpi slt, %jit3A_136, %sign3A_146 : i32
      %sign3A_148 = arith.extui %sign3A_147 : i1 to i32
      %sign3A_149 = arith.subi %sign3A_145, %sign3A_148 : i32
      %ne3A_150 = arith.cmpi ne, %sign3A_142, %sign3A_149 : i32
      %rem3A_151 = arith.remsi %sub3A_135, %jit3A_136 : i32
      %ne3A_152 = arith.constant 0 : i32
      %ne3A_153 = arith.cmpi ne, %rem3A_151, %ne3A_152 : i32
      %and3A_154 = arith.andi %ne3A_150, %ne3A_153 : i1
      %sub3A_155 = arith.constant 1 : i32
      %sub3A_156 = arith.subi %div3A, %sub3A_155 : i32
      %select_n3A_157 = arith.select %and3A_154, %sub3A_156, %div3A : i32
      %scan3A = arith.constant 0 : i32
      %lt3A_158 = arith.cmpi slt, %scan3A, %select_n3A_157 : i32
      %convert_element_type3A_159 = arith.extui %lt3A_158 : i1 to i32
      %cond3A_160 = arith.constant 0 : i32
      %cond3A_161 = arith.cmpi ne, %convert_element_type3A_159, %cond3A_160 : i32
      scf.if %cond3A_161 {
        %mul3A = arith.constant 256 : i32
        %mul3A_198 = arith.muli %scan3A, %mul3A : i32
        %mul3A_199 = arith.constant 256 : i32
        %mul3A_200 = arith.muli %scan3A, %mul3A_199 : i32
        %dma_start3A = arith.constant 1 : i32
        %dma_start3A_201 = arith.constant 1 : i32
        %dma_start3A_202 = tpu.memref_slice %arg6[%dma_start3A_201] : memref<2x!tpu.dma_semaphore, #tpu.memory_space<semaphore_mem>> -> memref<1x!tpu.dma_semaphore, #tpu.memory_space<semaphore_mem>>
        %dma_start3A_203 = tpu.memref_squeeze %dma_start3A_202 : memref<1x!tpu.dma_semaphore, #tpu.memory_space<semaphore_mem>> -> memref<!tpu.dma_semaphore, #tpu.memory_space<semaphore_mem>>
        %dma_start3A_204 = arith.constant 0 : i32
        %dma_start3A_205 = tpu.memref_slice %arg5[%dma_start3A, %mul3A_200, %dma_start3A_204] : memref<2x2048x1024xf32, #tpu.memory_space<vmem>> -> memref<1x256x1024xf32, #tpu.memory_space<vmem>>
        %dma_start3A_206 = tpu.memref_squeeze %dma_start3A_205 : memref<1x256x1024xf32, #tpu.memory_space<vmem>> -> memref<256x1024xf32, #tpu.memory_space<vmem>>
        %dma_start3A_207 = arith.constant 0 : i32
        %dma_start3A_208 = tpu.memref_slice %arg3[%add3A_2, %mul3A_198, %dma_start3A_207] : memref<16x2048x1024xf32, #tpu.memory_space<any>> -> memref<1x256x1024xf32, #tpu.memory_space<any>>
        %dma_start3A_209 = tpu.memref_squeeze %dma_start3A_208 : memref<1x256x1024xf32, #tpu.memory_space<any>> -> memref<256x1024xf32, #tpu.memory_space<any>>
        tpu.enqueue_dma source(%dma_start3A_209 : memref<256x1024xf32, #tpu.memory_space<any>>) target(%dma_start3A_206 : memref<256x1024xf32, #tpu.memory_space<vmem>>) target_semaphore(%dma_start3A_203 : memref<!tpu.dma_semaphore, #tpu.memory_space<semaphore_mem>>)
      } else {
      }
      %scan3A_162 = arith.constant 1 : i32
      %lt3A_163 = arith.cmpi slt, %scan3A_162, %select_n3A_157 : i32
      %convert_element_type3A_164 = arith.extui %lt3A_163 : i1 to i32
      %cond3A_165 = arith.constant 0 : i32
      %cond3A_166 = arith.cmpi ne, %convert_element_type3A_164, %cond3A_165 : i32
      scf.if %cond3A_166 {
        %mul3A = arith.constant 256 : i32
        %mul3A_198 = arith.muli %scan3A_162, %mul3A : i32
        %mul3A_199 = arith.constant 256 : i32
        %mul3A_200 = arith.muli %scan3A_162, %mul3A_199 : i32
        %dma_start3A = arith.constant 1 : i32
        %dma_start3A_201 = arith.constant 1 : i32
        %dma_start3A_202 = tpu.memref_slice %arg6[%dma_start3A_201] : memref<2x!tpu.dma_semaphore, #tpu.memory_space<semaphore_mem>> -> memref<1x!tpu.dma_semaphore, #tpu.memory_space<semaphore_mem>>
        %dma_start3A_203 = tpu.memref_squeeze %dma_start3A_202 : memref<1x!tpu.dma_semaphore, #tpu.memory_space<semaphore_mem>> -> memref<!tpu.dma_semaphore, #tpu.memory_space<semaphore_mem>>
        %dma_start3A_204 = arith.constant 0 : i32
        %dma_start3A_205 = tpu.memref_slice %arg5[%dma_start3A, %mul3A_200, %dma_start3A_204] : memref<2x2048x1024xf32, #tpu.memory_space<vmem>> -> memref<1x256x1024xf32, #tpu.memory_space<vmem>>
        %dma_start3A_206 = tpu.memref_squeeze %dma_start3A_205 : memref<1x256x1024xf32, #tpu.memory_space<vmem>> -> memref<256x1024xf32, #tpu.memory_space<vmem>>
        %dma_start3A_207 = arith.constant 0 : i32
        %dma_start3A_208 = tpu.memref_slice %arg3[%add3A_2, %mul3A_198, %dma_start3A_207] : memref<16x2048x1024xf32, #tpu.memory_space<any>> -> memref<1x256x1024xf32, #tpu.memory_space<any>>
        %dma_start3A_209 = tpu.memref_squeeze %dma_start3A_208 : memref<1x256x1024xf32, #tpu.memory_space<any>> -> memref<256x1024xf32, #tpu.memory_space<any>>
        tpu.enqueue_dma source(%dma_start3A_209 : memref<256x1024xf32, #tpu.memory_space<any>>) target(%dma_start3A_206 : memref<256x1024xf32, #tpu.memory_space<vmem>>) target_semaphore(%dma_start3A_203 : memref<!tpu.dma_semaphore, #tpu.memory_space<semaphore_mem>>)
      } else {
      }
      %scan3A_167 = arith.constant 2 : i32
      %lt3A_168 = arith.cmpi slt, %scan3A_167, %select_n3A_157 : i32
      %convert_element_type3A_169 = arith.extui %lt3A_168 : i1 to i32
      %cond3A_170 = arith.constant 0 : i32
      %cond3A_171 = arith.cmpi ne, %convert_element_type3A_169, %cond3A_170 : i32
      scf.if %cond3A_171 {
        %mul3A = arith.constant 256 : i32
        %mul3A_198 = arith.muli %scan3A_167, %mul3A : i32
        %mul3A_199 = arith.constant 256 : i32
        %mul3A_200 = arith.muli %scan3A_167, %mul3A_199 : i32
        %dma_start3A = arith.constant 1 : i32
        %dma_start3A_201 = arith.constant 1 : i32
        %dma_start3A_202 = tpu.memref_slice %arg6[%dma_start3A_201] : memref<2x!tpu.dma_semaphore, #tpu.memory_space<semaphore_mem>> -> memref<1x!tpu.dma_semaphore, #tpu.memory_space<semaphore_mem>>
        %dma_start3A_203 = tpu.memref_squeeze %dma_start3A_202 : memref<1x!tpu.dma_semaphore, #tpu.memory_space<semaphore_mem>> -> memref<!tpu.dma_semaphore, #tpu.memory_space<semaphore_mem>>
        %dma_start3A_204 = arith.constant 0 : i32
        %dma_start3A_205 = tpu.memref_slice %arg5[%dma_start3A, %mul3A_200, %dma_start3A_204] : memref<2x2048x1024xf32, #tpu.memory_space<vmem>> -> memref<1x256x1024xf32, #tpu.memory_space<vmem>>
        %dma_start3A_206 = tpu.memref_squeeze %dma_start3A_205 : memref<1x256x1024xf32, #tpu.memory_space<vmem>> -> memref<256x1024xf32, #tpu.memory_space<vmem>>
        %dma_start3A_207 = arith.constant 0 : i32
        %dma_start3A_208 = tpu.memref_slice %arg3[%add3A_2, %mul3A_198, %dma_start3A_207] : memref<16x2048x1024xf32, #tpu.memory_space<any>> -> memref<1x256x1024xf32, #tpu.memory_space<any>>
        %dma_start3A_209 = tpu.memref_squeeze %dma_start3A_208 : memref<1x256x1024xf32, #tpu.memory_space<any>> -> memref<256x1024xf32, #tpu.memory_space<any>>
        tpu.enqueue_dma source(%dma_start3A_209 : memref<256x1024xf32, #tpu.memory_space<any>>) target(%dma_start3A_206 : memref<256x1024xf32, #tpu.memory_space<vmem>>) target_semaphore(%dma_start3A_203 : memref<!tpu.dma_semaphore, #tpu.memory_space<semaphore_mem>>)
      } else {
      }
      %scan3A_172 = arith.constant 3 : i32
      %lt3A_173 = arith.cmpi slt, %scan3A_172, %select_n3A_157 : i32
      %convert_element_type3A_174 = arith.extui %lt3A_173 : i1 to i32
      %cond3A_175 = arith.constant 0 : i32
      %cond3A_176 = arith.cmpi ne, %convert_element_type3A_174, %cond3A_175 : i32
      scf.if %cond3A_176 {
        %mul3A = arith.constant 256 : i32
        %mul3A_198 = arith.muli %scan3A_172, %mul3A : i32
        %mul3A_199 = arith.constant 256 : i32
        %mul3A_200 = arith.muli %scan3A_172, %mul3A_199 : i32
        %dma_start3A = arith.constant 1 : i32
        %dma_start3A_201 = arith.constant 1 : i32
        %dma_start3A_202 = tpu.memref_slice %arg6[%dma_start3A_201] : memref<2x!tpu.dma_semaphore, #tpu.memory_space<semaphore_mem>> -> memref<1x!tpu.dma_semaphore, #tpu.memory_space<semaphore_mem>>
        %dma_start3A_203 = tpu.memref_squeeze %dma_start3A_202 : memref<1x!tpu.dma_semaphore, #tpu.memory_space<semaphore_mem>> -> memref<!tpu.dma_semaphore, #tpu.memory_space<semaphore_mem>>
        %dma_start3A_204 = arith.constant 0 : i32
        %dma_start3A_205 = tpu.memref_slice %arg5[%dma_start3A, %mul3A_200, %dma_start3A_204] : memref<2x2048x1024xf32, #tpu.memory_space<vmem>> -> memref<1x256x1024xf32, #tpu.memory_space<vmem>>
        %dma_start3A_206 = tpu.memref_squeeze %dma_start3A_205 : memref<1x256x1024xf32, #tpu.memory_space<vmem>> -> memref<256x1024xf32, #tpu.memory_space<vmem>>
        %dma_start3A_207 = arith.constant 0 : i32
        %dma_start3A_208 = tpu.memref_slice %arg3[%add3A_2, %mul3A_198, %dma_start3A_207] : memref<16x2048x1024xf32, #tpu.memory_space<any>> -> memref<1x256x1024xf32, #tpu.memory_space<any>>
        %dma_start3A_209 = tpu.memref_squeeze %dma_start3A_208 : memref<1x256x1024xf32, #tpu.memory_space<any>> -> memref<256x1024xf32, #tpu.memory_space<any>>
        tpu.enqueue_dma source(%dma_start3A_209 : memref<256x1024xf32, #tpu.memory_space<any>>) target(%dma_start3A_206 : memref<256x1024xf32, #tpu.memory_space<vmem>>) target_semaphore(%dma_start3A_203 : memref<!tpu.dma_semaphore, #tpu.memory_space<semaphore_mem>>)
      } else {
      }
      %scan3A_177 = arith.constant 4 : i32
      %lt3A_178 = arith.cmpi slt, %scan3A_177, %select_n3A_157 : i32
      %convert_element_type3A_179 = arith.extui %lt3A_178 : i1 to i32
      %cond3A_180 = arith.constant 0 : i32
      %cond3A_181 = arith.cmpi ne, %convert_element_type3A_179, %cond3A_180 : i32
      scf.if %cond3A_181 {
        %mul3A = arith.constant 256 : i32
        %mul3A_198 = arith.muli %scan3A_177, %mul3A : i32
        %mul3A_199 = arith.constant 256 : i32
        %mul3A_200 = arith.muli %scan3A_177, %mul3A_199 : i32
        %dma_start3A = arith.constant 1 : i32
        %dma_start3A_201 = arith.constant 1 : i32
        %dma_start3A_202 = tpu.memref_slice %arg6[%dma_start3A_201] : memref<2x!tpu.dma_semaphore, #tpu.memory_space<semaphore_mem>> -> memref<1x!tpu.dma_semaphore, #tpu.memory_space<semaphore_mem>>
        %dma_start3A_203 = tpu.memref_squeeze %dma_start3A_202 : memref<1x!tpu.dma_semaphore, #tpu.memory_space<semaphore_mem>> -> memref<!tpu.dma_semaphore, #tpu.memory_space<semaphore_mem>>
        %dma_start3A_204 = arith.constant 0 : i32
        %dma_start3A_205 = tpu.memref_slice %arg5[%dma_start3A, %mul3A_200, %dma_start3A_204] : memref<2x2048x1024xf32, #tpu.memory_space<vmem>> -> memref<1x256x1024xf32, #tpu.memory_space<vmem>>
        %dma_start3A_206 = tpu.memref_squeeze %dma_start3A_205 : memref<1x256x1024xf32, #tpu.memory_space<vmem>> -> memref<256x1024xf32, #tpu.memory_space<vmem>>
        %dma_start3A_207 = arith.constant 0 : i32
        %dma_start3A_208 = tpu.memref_slice %arg3[%add3A_2, %mul3A_198, %dma_start3A_207] : memref<16x2048x1024xf32, #tpu.memory_space<any>> -> memref<1x256x1024xf32, #tpu.memory_space<any>>
        %dma_start3A_209 = tpu.memref_squeeze %dma_start3A_208 : memref<1x256x1024xf32, #tpu.memory_space<any>> -> memref<256x1024xf32, #tpu.memory_space<any>>
        tpu.enqueue_dma source(%dma_start3A_209 : memref<256x1024xf32, #tpu.memory_space<any>>) target(%dma_start3A_206 : memref<256x1024xf32, #tpu.memory_space<vmem>>) target_semaphore(%dma_start3A_203 : memref<!tpu.dma_semaphore, #tpu.memory_space<semaphore_mem>>)
      } else {
      }
      %scan3A_182 = arith.constant 5 : i32
      %lt3A_183 = arith.cmpi slt, %scan3A_182, %select_n3A_157 : i32
      %convert_element_type3A_184 = arith.extui %lt3A_183 : i1 to i32
      %cond3A_185 = arith.constant 0 : i32
      %cond3A_186 = arith.cmpi ne, %convert_element_type3A_184, %cond3A_185 : i32
      scf.if %cond3A_186 {
        %mul3A = arith.constant 256 : i32
        %mul3A_198 = arith.muli %scan3A_182, %mul3A : i32
        %mul3A_199 = arith.constant 256 : i32
        %mul3A_200 = arith.muli %scan3A_182, %mul3A_199 : i32
        %dma_start3A = arith.constant 1 : i32
        %dma_start3A_201 = arith.constant 1 : i32
        %dma_start3A_202 = tpu.memref_slice %arg6[%dma_start3A_201] : memref<2x!tpu.dma_semaphore, #tpu.memory_space<semaphore_mem>> -> memref<1x!tpu.dma_semaphore, #tpu.memory_space<semaphore_mem>>
        %dma_start3A_203 = tpu.memref_squeeze %dma_start3A_202 : memref<1x!tpu.dma_semaphore, #tpu.memory_space<semaphore_mem>> -> memref<!tpu.dma_semaphore, #tpu.memory_space<semaphore_mem>>
        %dma_start3A_204 = arith.constant 0 : i32
        %dma_start3A_205 = tpu.memref_slice %arg5[%dma_start3A, %mul3A_200, %dma_start3A_204] : memref<2x2048x1024xf32, #tpu.memory_space<vmem>> -> memref<1x256x1024xf32, #tpu.memory_space<vmem>>
        %dma_start3A_206 = tpu.memref_squeeze %dma_start3A_205 : memref<1x256x1024xf32, #tpu.memory_space<vmem>> -> memref<256x1024xf32, #tpu.memory_space<vmem>>
        %dma_start3A_207 = arith.constant 0 : i32
        %dma_start3A_208 = tpu.memref_slice %arg3[%add3A_2, %mul3A_198, %dma_start3A_207] : memref<16x2048x1024xf32, #tpu.memory_space<any>> -> memref<1x256x1024xf32, #tpu.memory_space<any>>
        %dma_start3A_209 = tpu.memref_squeeze %dma_start3A_208 : memref<1x256x1024xf32, #tpu.memory_space<any>> -> memref<256x1024xf32, #tpu.memory_space<any>>
        tpu.enqueue_dma source(%dma_start3A_209 : memref<256x1024xf32, #tpu.memory_space<any>>) target(%dma_start3A_206 : memref<256x1024xf32, #tpu.memory_space<vmem>>) target_semaphore(%dma_start3A_203 : memref<!tpu.dma_semaphore, #tpu.memory_space<semaphore_mem>>)
      } else {
      }
      %scan3A_187 = arith.constant 6 : i32
      %lt3A_188 = arith.cmpi slt, %scan3A_187, %select_n3A_157 : i32
      %convert_element_type3A_189 = arith.extui %lt3A_188 : i1 to i32
      %cond3A_190 = arith.constant 0 : i32
      %cond3A_191 = arith.cmpi ne, %convert_element_type3A_189, %cond3A_190 : i32
      scf.if %cond3A_191 {
        %mul3A = arith.constant 256 : i32
        %mul3A_198 = arith.muli %scan3A_187, %mul3A : i32
        %mul3A_199 = arith.constant 256 : i32
        %mul3A_200 = arith.muli %scan3A_187, %mul3A_199 : i32
        %dma_start3A = arith.constant 1 : i32
        %dma_start3A_201 = arith.constant 1 : i32
        %dma_start3A_202 = tpu.memref_slice %arg6[%dma_start3A_201] : memref<2x!tpu.dma_semaphore, #tpu.memory_space<semaphore_mem>> -> memref<1x!tpu.dma_semaphore, #tpu.memory_space<semaphore_mem>>
        %dma_start3A_203 = tpu.memref_squeeze %dma_start3A_202 : memref<1x!tpu.dma_semaphore, #tpu.memory_space<semaphore_mem>> -> memref<!tpu.dma_semaphore, #tpu.memory_space<semaphore_mem>>
        %dma_start3A_204 = arith.constant 0 : i32
        %dma_start3A_205 = tpu.memref_slice %arg5[%dma_start3A, %mul3A_200, %dma_start3A_204] : memref<2x2048x1024xf32, #tpu.memory_space<vmem>> -> memref<1x256x1024xf32, #tpu.memory_space<vmem>>
        %dma_start3A_206 = tpu.memref_squeeze %dma_start3A_205 : memref<1x256x1024xf32, #tpu.memory_space<vmem>> -> memref<256x1024xf32, #tpu.memory_space<vmem>>
        %dma_start3A_207 = arith.constant 0 : i32
        %dma_start3A_208 = tpu.memref_slice %arg3[%add3A_2, %mul3A_198, %dma_start3A_207] : memref<16x2048x1024xf32, #tpu.memory_space<any>> -> memref<1x256x1024xf32, #tpu.memory_space<any>>
        %dma_start3A_209 = tpu.memref_squeeze %dma_start3A_208 : memref<1x256x1024xf32, #tpu.memory_space<any>> -> memref<256x1024xf32, #tpu.memory_space<any>>
        tpu.enqueue_dma source(%dma_start3A_209 : memref<256x1024xf32, #tpu.memory_space<any>>) target(%dma_start3A_206 : memref<256x1024xf32, #tpu.memory_space<vmem>>) target_semaphore(%dma_start3A_203 : memref<!tpu.dma_semaphore, #tpu.memory_space<semaphore_mem>>)
      } else {
      }
      %scan3A_192 = arith.constant 7 : i32
      %lt3A_193 = arith.cmpi slt, %scan3A_192, %select_n3A_157 : i32
      %convert_element_type3A_194 = arith.extui %lt3A_193 : i1 to i32
      %cond3A_195 = arith.constant 0 : i32
      %cond3A_196 = arith.cmpi ne, %convert_element_type3A_194, %cond3A_195 : i32
      scf.if %cond3A_196 {
        %mul3A = arith.constant 256 : i32
        %mul3A_198 = arith.muli %scan3A_192, %mul3A : i32
        %mul3A_199 = arith.constant 256 : i32
        %mul3A_200 = arith.muli %scan3A_192, %mul3A_199 : i32
        %dma_start3A = arith.constant 1 : i32
        %dma_start3A_201 = arith.constant 1 : i32
        %dma_start3A_202 = tpu.memref_slice %arg6[%dma_start3A_201] : memref<2x!tpu.dma_semaphore, #tpu.memory_space<semaphore_mem>> -> memref<1x!tpu.dma_semaphore, #tpu.memory_space<semaphore_mem>>
        %dma_start3A_203 = tpu.memref_squeeze %dma_start3A_202 : memref<1x!tpu.dma_semaphore, #tpu.memory_space<semaphore_mem>> -> memref<!tpu.dma_semaphore, #tpu.memory_space<semaphore_mem>>
        %dma_start3A_204 = arith.constant 0 : i32
        %dma_start3A_205 = tpu.memref_slice %arg5[%dma_start3A, %mul3A_200, %dma_start3A_204] : memref<2x2048x1024xf32, #tpu.memory_space<vmem>> -> memref<1x256x1024xf32, #tpu.memory_space<vmem>>
        %dma_start3A_206 = tpu.memref_squeeze %dma_start3A_205 : memref<1x256x1024xf32, #tpu.memory_space<vmem>> -> memref<256x1024xf32, #tpu.memory_space<vmem>>
        %dma_start3A_207 = arith.constant 0 : i32
        %dma_start3A_208 = tpu.memref_slice %arg3[%add3A_2, %mul3A_198, %dma_start3A_207] : memref<16x2048x1024xf32, #tpu.memory_space<any>> -> memref<1x256x1024xf32, #tpu.memory_space<any>>
        %dma_start3A_209 = tpu.memref_squeeze %dma_start3A_208 : memref<1x256x1024xf32, #tpu.memory_space<any>> -> memref<256x1024xf32, #tpu.memory_space<any>>
        tpu.enqueue_dma source(%dma_start3A_209 : memref<256x1024xf32, #tpu.memory_space<any>>) target(%dma_start3A_206 : memref<256x1024xf32, #tpu.memory_space<vmem>>) target_semaphore(%dma_start3A_203 : memref<!tpu.dma_semaphore, #tpu.memory_space<semaphore_mem>>)
      } else {
      }
      %scan3A_197 = arith.constant 8 : i32
    } else {
    }
    %jit3A_45 = arith.constant 2 : i32
    %eq3A_46 = arith.constant 0 : i32
    %eq3A_47 = arith.cmpi eq, %jit3A_45, %eq3A_46 : i32
    %jit3A_48 = arith.constant 1 : i32
    %select_n3A_49 = arith.select %eq3A_47, %jit3A_48, %jit3A_45 : i32
    %rem3A_50 = arith.remsi %arg0, %select_n3A_49 : i32
    %ne3A_51 = arith.constant 0 : i32
    %ne3A_52 = arith.cmpi ne, %rem3A_50, %ne3A_51 : i32
    %lt3A_53 = arith.constant 0 : i32
    %lt3A_54 = arith.cmpi slt, %rem3A_50, %lt3A_53 : i32
    %lt3A_55 = arith.constant 0 : i32
    %lt3A_56 = arith.cmpi slt, %select_n3A_49, %lt3A_55 : i32
    %ne3A_57 = arith.xori %lt3A_54, %lt3A_56 : i1
    %and3A_58 = arith.andi %ne3A_57, %ne3A_52 : i1
    %add3A_59 = arith.addi %rem3A_50, %select_n3A_49 : i32
    %select_n3A_60 = arith.select %and3A_58, %add3A_59, %rem3A_50 : i32
    %eq3A_61 = arith.constant 0 : i32
    %eq3A_62 = arith.cmpi eq, %select_n3A_60, %eq3A_61 : i32
    %convert_element_type3A_63 = arith.extui %eq3A_62 : i1 to i32
    %cond3A_64 = arith.constant 0 : i32
    %cond3A_65 = arith.cmpi ne, %convert_element_type3A_63, %cond3A_64 : i32
    scf.if %cond3A_65 {
      %get3A_131 = arith.index_cast %arg0 : i32 to index
      %get3A_132 = memref.load %arg1[%get3A_131] : memref<16xi32, #tpu.memory_space<smem>>
      %add3A_133 = arith.constant 256 : i32
      %add3A_134 = arith.addi %get3A_132, %add3A_133 : i32
      %sub3A = arith.constant 1 : i32
      %sub3A_135 = arith.subi %add3A_134, %sub3A : i32
      %jit3A_136 = arith.constant 256 : i32
      %div3A = arith.divsi %sub3A_135, %jit3A_136 : i32
      %sign3A = arith.constant 0 : i32
      %sign3A_137 = arith.cmpi sgt, %sub3A_135, %sign3A : i32
      %sign3A_138 = arith.extui %sign3A_137 : i1 to i32
      %sign3A_139 = arith.constant 0 : i32
      %sign3A_140 = arith.cmpi slt, %sub3A_135, %sign3A_139 : i32
      %sign3A_141 = arith.extui %sign3A_140 : i1 to i32
      %sign3A_142 = arith.subi %sign3A_138, %sign3A_141 : i32
      %sign3A_143 = arith.constant 0 : i32
      %sign3A_144 = arith.cmpi sgt, %jit3A_136, %sign3A_143 : i32
      %sign3A_145 = arith.extui %sign3A_144 : i1 to i32
      %sign3A_146 = arith.constant 0 : i32
      %sign3A_147 = arith.cmpi slt, %jit3A_136, %sign3A_146 : i32
      %sign3A_148 = arith.extui %sign3A_147 : i1 to i32
      %sign3A_149 = arith.subi %sign3A_145, %sign3A_148 : i32
      %ne3A_150 = arith.cmpi ne, %sign3A_142, %sign3A_149 : i32
      %rem3A_151 = arith.remsi %sub3A_135, %jit3A_136 : i32
      %ne3A_152 = arith.constant 0 : i32
      %ne3A_153 = arith.cmpi ne, %rem3A_151, %ne3A_152 : i32
      %and3A_154 = arith.andi %ne3A_150, %ne3A_153 : i1
      %sub3A_155 = arith.constant 1 : i32
      %sub3A_156 = arith.subi %div3A, %sub3A_155 : i32
      %select_n3A_157 = arith.select %and3A_154, %sub3A_156, %div3A : i32
      %scan3A = arith.constant 0 : i32
      %lt3A_158 = arith.cmpi slt, %scan3A, %select_n3A_157 : i32
      %convert_element_type3A_159 = arith.extui %lt3A_158 : i1 to i32
      %cond3A_160 = arith.constant 0 : i32
      %cond3A_161 = arith.cmpi ne, %convert_element_type3A_159, %cond3A_160 : i32
      scf.if %cond3A_161 {
        %mul3A = arith.constant 256 : i32
        %mul3A_198 = arith.muli %scan3A, %mul3A : i32
        %mul3A_199 = arith.constant 256 : i32
        %mul3A_200 = arith.muli %scan3A, %mul3A_199 : i32
        %dma_wait3A = arith.constant 0 : i32
        %dma_wait3A_201 = arith.constant 0 : i32
        %dma_wait3A_202 = tpu.memref_slice %arg6[%dma_wait3A_201] : memref<2x!tpu.dma_semaphore, #tpu.memory_space<semaphore_mem>> -> memref<1x!tpu.dma_semaphore, #tpu.memory_space<semaphore_mem>>
        %dma_wait3A_203 = tpu.memref_squeeze %dma_wait3A_202 : memref<1x!tpu.dma_semaphore, #tpu.memory_space<semaphore_mem>> -> memref<!tpu.dma_semaphore, #tpu.memory_space<semaphore_mem>>
        %dma_wait3A_204 = arith.constant 0 : i32
        %dma_wait3A_205 = tpu.memref_slice %arg5[%dma_wait3A, %mul3A_200, %dma_wait3A_204] : memref<2x2048x1024xf32, #tpu.memory_space<vmem>> -> memref<1x256x1024xf32, #tpu.memory_space<vmem>>
        %dma_wait3A_206 = tpu.memref_squeeze %dma_wait3A_205 : memref<1x256x1024xf32, #tpu.memory_space<vmem>> -> memref<256x1024xf32, #tpu.memory_space<vmem>>
        %dma_wait3A_207 = arith.constant 0 : i32
        %dma_wait3A_208 = tpu.memref_slice %arg3[%arg0, %mul3A_198, %dma_wait3A_207] : memref<16x2048x1024xf32, #tpu.memory_space<any>> -> memref<1x256x1024xf32, #tpu.memory_space<any>>
        %dma_wait3A_209 = tpu.memref_squeeze %dma_wait3A_208 : memref<1x256x1024xf32, #tpu.memory_space<any>> -> memref<256x1024xf32, #tpu.memory_space<any>>
        tpu.wait_dma2 semaphore(%dma_wait3A_203 : memref<!tpu.dma_semaphore, #tpu.memory_space<semaphore_mem>>) src(%dma_wait3A_209 : memref<256x1024xf32, #tpu.memory_space<any>>) dst(%dma_wait3A_206 : memref<256x1024xf32, #tpu.memory_space<vmem>>)
      } else {
      }
      %scan3A_162 = arith.constant 1 : i32
      %lt3A_163 = arith.cmpi slt, %scan3A_162, %select_n3A_157 : i32
      %convert_element_type3A_164 = arith.extui %lt3A_163 : i1 to i32
      %cond3A_165 = arith.constant 0 : i32
      %cond3A_166 = arith.cmpi ne, %convert_element_type3A_164, %cond3A_165 : i32
      scf.if %cond3A_166 {
        %mul3A = arith.constant 256 : i32
        %mul3A_198 = arith.muli %scan3A_162, %mul3A : i32
        %mul3A_199 = arith.constant 256 : i32
        %mul3A_200 = arith.muli %scan3A_162, %mul3A_199 : i32
        %dma_wait3A = arith.constant 0 : i32
        %dma_wait3A_201 = arith.constant 0 : i32
        %dma_wait3A_202 = tpu.memref_slice %arg6[%dma_wait3A_201] : memref<2x!tpu.dma_semaphore, #tpu.memory_space<semaphore_mem>> -> memref<1x!tpu.dma_semaphore, #tpu.memory_space<semaphore_mem>>
        %dma_wait3A_203 = tpu.memref_squeeze %dma_wait3A_202 : memref<1x!tpu.dma_semaphore, #tpu.memory_space<semaphore_mem>> -> memref<!tpu.dma_semaphore, #tpu.memory_space<semaphore_mem>>
        %dma_wait3A_204 = arith.constant 0 : i32
        %dma_wait3A_205 = tpu.memref_slice %arg5[%dma_wait3A, %mul3A_200, %dma_wait3A_204] : memref<2x2048x1024xf32, #tpu.memory_space<vmem>> -> memref<1x256x1024xf32, #tpu.memory_space<vmem>>
        %dma_wait3A_206 = tpu.memref_squeeze %dma_wait3A_205 : memref<1x256x1024xf32, #tpu.memory_space<vmem>> -> memref<256x1024xf32, #tpu.memory_space<vmem>>
        %dma_wait3A_207 = arith.constant 0 : i32
        %dma_wait3A_208 = tpu.memref_slice %arg3[%arg0, %mul3A_198, %dma_wait3A_207] : memref<16x2048x1024xf32, #tpu.memory_space<any>> -> memref<1x256x1024xf32, #tpu.memory_space<any>>
        %dma_wait3A_209 = tpu.memref_squeeze %dma_wait3A_208 : memref<1x256x1024xf32, #tpu.memory_space<any>> -> memref<256x1024xf32, #tpu.memory_space<any>>
        tpu.wait_dma2 semaphore(%dma_wait3A_203 : memref<!tpu.dma_semaphore, #tpu.memory_space<semaphore_mem>>) src(%dma_wait3A_209 : memref<256x1024xf32, #tpu.memory_space<any>>) dst(%dma_wait3A_206 : memref<256x1024xf32, #tpu.memory_space<vmem>>)
      } else {
      }
      %scan3A_167 = arith.constant 2 : i32
      %lt3A_168 = arith.cmpi slt, %scan3A_167, %select_n3A_157 : i32
      %convert_element_type3A_169 = arith.extui %lt3A_168 : i1 to i32
      %cond3A_170 = arith.constant 0 : i32
      %cond3A_171 = arith.cmpi ne, %convert_element_type3A_169, %cond3A_170 : i32
      scf.if %cond3A_171 {
        %mul3A = arith.constant 256 : i32
        %mul3A_198 = arith.muli %scan3A_167, %mul3A : i32
        %mul3A_199 = arith.constant 256 : i32
        %mul3A_200 = arith.muli %scan3A_167, %mul3A_199 : i32
        %dma_wait3A = arith.constant 0 : i32
        %dma_wait3A_201 = arith.constant 0 : i32
        %dma_wait3A_202 = tpu.memref_slice %arg6[%dma_wait3A_201] : memref<2x!tpu.dma_semaphore, #tpu.memory_space<semaphore_mem>> -> memref<1x!tpu.dma_semaphore, #tpu.memory_space<semaphore_mem>>
        %dma_wait3A_203 = tpu.memref_squeeze %dma_wait3A_202 : memref<1x!tpu.dma_semaphore, #tpu.memory_space<semaphore_mem>> -> memref<!tpu.dma_semaphore, #tpu.memory_space<semaphore_mem>>
        %dma_wait3A_204 = arith.constant 0 : i32
        %dma_wait3A_205 = tpu.memref_slice %arg5[%dma_wait3A, %mul3A_200, %dma_wait3A_204] : memref<2x2048x1024xf32, #tpu.memory_space<vmem>> -> memref<1x256x1024xf32, #tpu.memory_space<vmem>>
        %dma_wait3A_206 = tpu.memref_squeeze %dma_wait3A_205 : memref<1x256x1024xf32, #tpu.memory_space<vmem>> -> memref<256x1024xf32, #tpu.memory_space<vmem>>
        %dma_wait3A_207 = arith.constant 0 : i32
        %dma_wait3A_208 = tpu.memref_slice %arg3[%arg0, %mul3A_198, %dma_wait3A_207] : memref<16x2048x1024xf32, #tpu.memory_space<any>> -> memref<1x256x1024xf32, #tpu.memory_space<any>>
        %dma_wait3A_209 = tpu.memref_squeeze %dma_wait3A_208 : memref<1x256x1024xf32, #tpu.memory_space<any>> -> memref<256x1024xf32, #tpu.memory_space<any>>
        tpu.wait_dma2 semaphore(%dma_wait3A_203 : memref<!tpu.dma_semaphore, #tpu.memory_space<semaphore_mem>>) src(%dma_wait3A_209 : memref<256x1024xf32, #tpu.memory_space<any>>) dst(%dma_wait3A_206 : memref<256x1024xf32, #tpu.memory_space<vmem>>)
      } else {
      }
      %scan3A_172 = arith.constant 3 : i32
      %lt3A_173 = arith.cmpi slt, %scan3A_172, %select_n3A_157 : i32
      %convert_element_type3A_174 = arith.extui %lt3A_173 : i1 to i32
      %cond3A_175 = arith.constant 0 : i32
      %cond3A_176 = arith.cmpi ne, %convert_element_type3A_174, %cond3A_175 : i32
      scf.if %cond3A_176 {
        %mul3A = arith.constant 256 : i32
        %mul3A_198 = arith.muli %scan3A_172, %mul3A : i32
        %mul3A_199 = arith.constant 256 : i32
        %mul3A_200 = arith.muli %scan3A_172, %mul3A_199 : i32
        %dma_wait3A = arith.constant 0 : i32
        %dma_wait3A_201 = arith.constant 0 : i32
        %dma_wait3A_202 = tpu.memref_slice %arg6[%dma_wait3A_201] : memref<2x!tpu.dma_semaphore, #tpu.memory_space<semaphore_mem>> -> memref<1x!tpu.dma_semaphore, #tpu.memory_space<semaphore_mem>>
        %dma_wait3A_203 = tpu.memref_squeeze %dma_wait3A_202 : memref<1x!tpu.dma_semaphore, #tpu.memory_space<semaphore_mem>> -> memref<!tpu.dma_semaphore, #tpu.memory_space<semaphore_mem>>
        %dma_wait3A_204 = arith.constant 0 : i32
        %dma_wait3A_205 = tpu.memref_slice %arg5[%dma_wait3A, %mul3A_200, %dma_wait3A_204] : memref<2x2048x1024xf32, #tpu.memory_space<vmem>> -> memref<1x256x1024xf32, #tpu.memory_space<vmem>>
        %dma_wait3A_206 = tpu.memref_squeeze %dma_wait3A_205 : memref<1x256x1024xf32, #tpu.memory_space<vmem>> -> memref<256x1024xf32, #tpu.memory_space<vmem>>
        %dma_wait3A_207 = arith.constant 0 : i32
        %dma_wait3A_208 = tpu.memref_slice %arg3[%arg0, %mul3A_198, %dma_wait3A_207] : memref<16x2048x1024xf32, #tpu.memory_space<any>> -> memref<1x256x1024xf32, #tpu.memory_space<any>>
        %dma_wait3A_209 = tpu.memref_squeeze %dma_wait3A_208 : memref<1x256x1024xf32, #tpu.memory_space<any>> -> memref<256x1024xf32, #tpu.memory_space<any>>
        tpu.wait_dma2 semaphore(%dma_wait3A_203 : memref<!tpu.dma_semaphore, #tpu.memory_space<semaphore_mem>>) src(%dma_wait3A_209 : memref<256x1024xf32, #tpu.memory_space<any>>) dst(%dma_wait3A_206 : memref<256x1024xf32, #tpu.memory_space<vmem>>)
      } else {
      }
      %scan3A_177 = arith.constant 4 : i32
      %lt3A_178 = arith.cmpi slt, %scan3A_177, %select_n3A_157 : i32
      %convert_element_type3A_179 = arith.extui %lt3A_178 : i1 to i32
      %cond3A_180 = arith.constant 0 : i32
      %cond3A_181 = arith.cmpi ne, %convert_element_type3A_179, %cond3A_180 : i32
      scf.if %cond3A_181 {
        %mul3A = arith.constant 256 : i32
        %mul3A_198 = arith.muli %scan3A_177, %mul3A : i32
        %mul3A_199 = arith.constant 256 : i32
        %mul3A_200 = arith.muli %scan3A_177, %mul3A_199 : i32
        %dma_wait3A = arith.constant 0 : i32
        %dma_wait3A_201 = arith.constant 0 : i32
        %dma_wait3A_202 = tpu.memref_slice %arg6[%dma_wait3A_201] : memref<2x!tpu.dma_semaphore, #tpu.memory_space<semaphore_mem>> -> memref<1x!tpu.dma_semaphore, #tpu.memory_space<semaphore_mem>>
        %dma_wait3A_203 = tpu.memref_squeeze %dma_wait3A_202 : memref<1x!tpu.dma_semaphore, #tpu.memory_space<semaphore_mem>> -> memref<!tpu.dma_semaphore, #tpu.memory_space<semaphore_mem>>
        %dma_wait3A_204 = arith.constant 0 : i32
        %dma_wait3A_205 = tpu.memref_slice %arg5[%dma_wait3A, %mul3A_200, %dma_wait3A_204] : memref<2x2048x1024xf32, #tpu.memory_space<vmem>> -> memref<1x256x1024xf32, #tpu.memory_space<vmem>>
        %dma_wait3A_206 = tpu.memref_squeeze %dma_wait3A_205 : memref<1x256x1024xf32, #tpu.memory_space<vmem>> -> memref<256x1024xf32, #tpu.memory_space<vmem>>
        %dma_wait3A_207 = arith.constant 0 : i32
        %dma_wait3A_208 = tpu.memref_slice %arg3[%arg0, %mul3A_198, %dma_wait3A_207] : memref<16x2048x1024xf32, #tpu.memory_space<any>> -> memref<1x256x1024xf32, #tpu.memory_space<any>>
        %dma_wait3A_209 = tpu.memref_squeeze %dma_wait3A_208 : memref<1x256x1024xf32, #tpu.memory_space<any>> -> memref<256x1024xf32, #tpu.memory_space<any>>
        tpu.wait_dma2 semaphore(%dma_wait3A_203 : memref<!tpu.dma_semaphore, #tpu.memory_space<semaphore_mem>>) src(%dma_wait3A_209 : memref<256x1024xf32, #tpu.memory_space<any>>) dst(%dma_wait3A_206 : memref<256x1024xf32, #tpu.memory_space<vmem>>)
      } else {
      }
      %scan3A_182 = arith.constant 5 : i32
      %lt3A_183 = arith.cmpi slt, %scan3A_182, %select_n3A_157 : i32
      %convert_element_type3A_184 = arith.extui %lt3A_183 : i1 to i32
      %cond3A_185 = arith.constant 0 : i32
      %cond3A_186 = arith.cmpi ne, %convert_element_type3A_184, %cond3A_185 : i32
      scf.if %cond3A_186 {
        %mul3A = arith.constant 256 : i32
        %mul3A_198 = arith.muli %scan3A_182, %mul3A : i32
        %mul3A_199 = arith.constant 256 : i32
        %mul3A_200 = arith.muli %scan3A_182, %mul3A_199 : i32
        %dma_wait3A = arith.constant 0 : i32
        %dma_wait3A_201 = arith.constant 0 : i32
        %dma_wait3A_202 = tpu.memref_slice %arg6[%dma_wait3A_201] : memref<2x!tpu.dma_semaphore, #tpu.memory_space<semaphore_mem>> -> memref<1x!tpu.dma_semaphore, #tpu.memory_space<semaphore_mem>>
        %dma_wait3A_203 = tpu.memref_squeeze %dma_wait3A_202 : memref<1x!tpu.dma_semaphore, #tpu.memory_space<semaphore_mem>> -> memref<!tpu.dma_semaphore, #tpu.memory_space<semaphore_mem>>
        %dma_wait3A_204 = arith.constant 0 : i32
        %dma_wait3A_205 = tpu.memref_slice %arg5[%dma_wait3A, %mul3A_200, %dma_wait3A_204] : memref<2x2048x1024xf32, #tpu.memory_space<vmem>> -> memref<1x256x1024xf32, #tpu.memory_space<vmem>>
        %dma_wait3A_206 = tpu.memref_squeeze %dma_wait3A_205 : memref<1x256x1024xf32, #tpu.memory_space<vmem>> -> memref<256x1024xf32, #tpu.memory_space<vmem>>
        %dma_wait3A_207 = arith.constant 0 : i32
        %dma_wait3A_208 = tpu.memref_slice %arg3[%arg0, %mul3A_198, %dma_wait3A_207] : memref<16x2048x1024xf32, #tpu.memory_space<any>> -> memref<1x256x1024xf32, #tpu.memory_space<any>>
        %dma_wait3A_209 = tpu.memref_squeeze %dma_wait3A_208 : memref<1x256x1024xf32, #tpu.memory_space<any>> -> memref<256x1024xf32, #tpu.memory_space<any>>
        tpu.wait_dma2 semaphore(%dma_wait3A_203 : memref<!tpu.dma_semaphore, #tpu.memory_space<semaphore_mem>>) src(%dma_wait3A_209 : memref<256x1024xf32, #tpu.memory_space<any>>) dst(%dma_wait3A_206 : memref<256x1024xf32, #tpu.memory_space<vmem>>)
      } else {
      }
      %scan3A_187 = arith.constant 6 : i32
      %lt3A_188 = arith.cmpi slt, %scan3A_187, %select_n3A_157 : i32
      %convert_element_type3A_189 = arith.extui %lt3A_188 : i1 to i32
      %cond3A_190 = arith.constant 0 : i32
      %cond3A_191 = arith.cmpi ne, %convert_element_type3A_189, %cond3A_190 : i32
      scf.if %cond3A_191 {
        %mul3A = arith.constant 256 : i32
        %mul3A_198 = arith.muli %scan3A_187, %mul3A : i32
        %mul3A_199 = arith.constant 256 : i32
        %mul3A_200 = arith.muli %scan3A_187, %mul3A_199 : i32
        %dma_wait3A = arith.constant 0 : i32
        %dma_wait3A_201 = arith.constant 0 : i32
        %dma_wait3A_202 = tpu.memref_slice %arg6[%dma_wait3A_201] : memref<2x!tpu.dma_semaphore, #tpu.memory_space<semaphore_mem>> -> memref<1x!tpu.dma_semaphore, #tpu.memory_space<semaphore_mem>>
        %dma_wait3A_203 = tpu.memref_squeeze %dma_wait3A_202 : memref<1x!tpu.dma_semaphore, #tpu.memory_space<semaphore_mem>> -> memref<!tpu.dma_semaphore, #tpu.memory_space<semaphore_mem>>
        %dma_wait3A_204 = arith.constant 0 : i32
        %dma_wait3A_205 = tpu.memref_slice %arg5[%dma_wait3A, %mul3A_200, %dma_wait3A_204] : memref<2x2048x1024xf32, #tpu.memory_space<vmem>> -> memref<1x256x1024xf32, #tpu.memory_space<vmem>>
        %dma_wait3A_206 = tpu.memref_squeeze %dma_wait3A_205 : memref<1x256x1024xf32, #tpu.memory_space<vmem>> -> memref<256x1024xf32, #tpu.memory_space<vmem>>
        %dma_wait3A_207 = arith.constant 0 : i32
        %dma_wait3A_208 = tpu.memref_slice %arg3[%arg0, %mul3A_198, %dma_wait3A_207] : memref<16x2048x1024xf32, #tpu.memory_space<any>> -> memref<1x256x1024xf32, #tpu.memory_space<any>>
        %dma_wait3A_209 = tpu.memref_squeeze %dma_wait3A_208 : memref<1x256x1024xf32, #tpu.memory_space<any>> -> memref<256x1024xf32, #tpu.memory_space<any>>
        tpu.wait_dma2 semaphore(%dma_wait3A_203 : memref<!tpu.dma_semaphore, #tpu.memory_space<semaphore_mem>>) src(%dma_wait3A_209 : memref<256x1024xf32, #tpu.memory_space<any>>) dst(%dma_wait3A_206 : memref<256x1024xf32, #tpu.memory_space<vmem>>)
      } else {
      }
      %scan3A_192 = arith.constant 7 : i32
      %lt3A_193 = arith.cmpi slt, %scan3A_192, %select_n3A_157 : i32
      %convert_element_type3A_194 = arith.extui %lt3A_193 : i1 to i32
      %cond3A_195 = arith.constant 0 : i32
      %cond3A_196 = arith.cmpi ne, %convert_element_type3A_194, %cond3A_195 : i32
      scf.if %cond3A_196 {
        %mul3A = arith.constant 256 : i32
        %mul3A_198 = arith.muli %scan3A_192, %mul3A : i32
        %mul3A_199 = arith.constant 256 : i32
        %mul3A_200 = arith.muli %scan3A_192, %mul3A_199 : i32
        %dma_wait3A = arith.constant 0 : i32
        %dma_wait3A_201 = arith.constant 0 : i32
        %dma_wait3A_202 = tpu.memref_slice %arg6[%dma_wait3A_201] : memref<2x!tpu.dma_semaphore, #tpu.memory_space<semaphore_mem>> -> memref<1x!tpu.dma_semaphore, #tpu.memory_space<semaphore_mem>>
        %dma_wait3A_203 = tpu.memref_squeeze %dma_wait3A_202 : memref<1x!tpu.dma_semaphore, #tpu.memory_space<semaphore_mem>> -> memref<!tpu.dma_semaphore, #tpu.memory_space<semaphore_mem>>
        %dma_wait3A_204 = arith.constant 0 : i32
        %dma_wait3A_205 = tpu.memref_slice %arg5[%dma_wait3A, %mul3A_200, %dma_wait3A_204] : memref<2x2048x1024xf32, #tpu.memory_space<vmem>> -> memref<1x256x1024xf32, #tpu.memory_space<vmem>>
        %dma_wait3A_206 = tpu.memref_squeeze %dma_wait3A_205 : memref<1x256x1024xf32, #tpu.memory_space<vmem>> -> memref<256x1024xf32, #tpu.memory_space<vmem>>
        %dma_wait3A_207 = arith.constant 0 : i32
        %dma_wait3A_208 = tpu.memref_slice %arg3[%arg0, %mul3A_198, %dma_wait3A_207] : memref<16x2048x1024xf32, #tpu.memory_space<any>> -> memref<1x256x1024xf32, #tpu.memory_space<any>>
        %dma_wait3A_209 = tpu.memref_squeeze %dma_wait3A_208 : memref<1x256x1024xf32, #tpu.memory_space<any>> -> memref<256x1024xf32, #tpu.memory_space<any>>
        tpu.wait_dma2 semaphore(%dma_wait3A_203 : memref<!tpu.dma_semaphore, #tpu.memory_space<semaphore_mem>>) src(%dma_wait3A_209 : memref<256x1024xf32, #tpu.memory_space<any>>) dst(%dma_wait3A_206 : memref<256x1024xf32, #tpu.memory_space<vmem>>)
      } else {
      }
      %scan3A_197 = arith.constant 8 : i32
    } else {
    }
    %jit3A_66 = arith.constant 2 : i32
    %eq3A_67 = arith.constant 0 : i32
    %eq3A_68 = arith.cmpi eq, %jit3A_66, %eq3A_67 : i32
    %jit3A_69 = arith.constant 1 : i32
    %select_n3A_70 = arith.select %eq3A_68, %jit3A_69, %jit3A_66 : i32
    %rem3A_71 = arith.remsi %arg0, %select_n3A_70 : i32
    %ne3A_72 = arith.constant 0 : i32
    %ne3A_73 = arith.cmpi ne, %rem3A_71, %ne3A_72 : i32
    %lt3A_74 = arith.constant 0 : i32
    %lt3A_75 = arith.cmpi slt, %rem3A_71, %lt3A_74 : i32
    %lt3A_76 = arith.constant 0 : i32
    %lt3A_77 = arith.cmpi slt, %select_n3A_70, %lt3A_76 : i32
    %ne3A_78 = arith.xori %lt3A_75, %lt3A_77 : i1
    %and3A_79 = arith.andi %ne3A_78, %ne3A_73 : i1
    %add3A_80 = arith.addi %rem3A_71, %select_n3A_70 : i32
    %select_n3A_81 = arith.select %and3A_79, %add3A_80, %rem3A_71 : i32
    %eq3A_82 = arith.constant 1 : i32
    %eq3A_83 = arith.cmpi eq, %select_n3A_81, %eq3A_82 : i32
    %convert_element_type3A_84 = arith.extui %eq3A_83 : i1 to i32
    %cond3A_85 = arith.constant 0 : i32
    %cond3A_86 = arith.cmpi ne, %convert_element_type3A_84, %cond3A_85 : i32
    scf.if %cond3A_86 {
      %get3A_131 = arith.index_cast %arg0 : i32 to index
      %get3A_132 = memref.load %arg1[%get3A_131] : memref<16xi32, #tpu.memory_space<smem>>
      %add3A_133 = arith.constant 256 : i32
      %add3A_134 = arith.addi %get3A_132, %add3A_133 : i32
      %sub3A = arith.constant 1 : i32
      %sub3A_135 = arith.subi %add3A_134, %sub3A : i32
      %jit3A_136 = arith.constant 256 : i32
      %div3A = arith.divsi %sub3A_135, %jit3A_136 : i32
      %sign3A = arith.constant 0 : i32
      %sign3A_137 = arith.cmpi sgt, %sub3A_135, %sign3A : i32
      %sign3A_138 = arith.extui %sign3A_137 : i1 to i32
      %sign3A_139 = arith.constant 0 : i32
      %sign3A_140 = arith.cmpi slt, %sub3A_135, %sign3A_139 : i32
      %sign3A_141 = arith.extui %sign3A_140 : i1 to i32
      %sign3A_142 = arith.subi %sign3A_138, %sign3A_141 : i32
      %sign3A_143 = arith.constant 0 : i32
      %sign3A_144 = arith.cmpi sgt, %jit3A_136, %sign3A_143 : i32
      %sign3A_145 = arith.extui %sign3A_144 : i1 to i32
      %sign3A_146 = arith.constant 0 : i32
      %sign3A_147 = arith.cmpi slt, %jit3A_136, %sign3A_146 : i32
      %sign3A_148 = arith.extui %sign3A_147 : i1 to i32
      %sign3A_149 = arith.subi %sign3A_145, %sign3A_148 : i32
      %ne3A_150 = arith.cmpi ne, %sign3A_142, %sign3A_149 : i32
      %rem3A_151 = arith.remsi %sub3A_135, %jit3A_136 : i32
      %ne3A_152 = arith.constant 0 : i32
      %ne3A_153 = arith.cmpi ne, %rem3A_151, %ne3A_152 : i32
      %and3A_154 = arith.andi %ne3A_150, %ne3A_153 : i1
      %sub3A_155 = arith.constant 1 : i32
      %sub3A_156 = arith.subi %div3A, %sub3A_155 : i32
      %select_n3A_157 = arith.select %and3A_154, %sub3A_156, %div3A : i32
      %scan3A = arith.constant 0 : i32
      %lt3A_158 = arith.cmpi slt, %scan3A, %select_n3A_157 : i32
      %convert_element_type3A_159 = arith.extui %lt3A_158 : i1 to i32
      %cond3A_160 = arith.constant 0 : i32
      %cond3A_161 = arith.cmpi ne, %convert_element_type3A_159, %cond3A_160 : i32
      scf.if %cond3A_161 {
        %mul3A = arith.constant 256 : i32
        %mul3A_198 = arith.muli %scan3A, %mul3A : i32
        %mul3A_199 = arith.constant 256 : i32
        %mul3A_200 = arith.muli %scan3A, %mul3A_199 : i32
        %dma_wait3A = arith.constant 1 : i32
        %dma_wait3A_201 = arith.constant 1 : i32
        %dma_wait3A_202 = tpu.memref_slice %arg6[%dma_wait3A_201] : memref<2x!tpu.dma_semaphore, #tpu.memory_space<semaphore_mem>> -> memref<1x!tpu.dma_semaphore, #tpu.memory_space<semaphore_mem>>
        %dma_wait3A_203 = tpu.memref_squeeze %dma_wait3A_202 : memref<1x!tpu.dma_semaphore, #tpu.memory_space<semaphore_mem>> -> memref<!tpu.dma_semaphore, #tpu.memory_space<semaphore_mem>>
        %dma_wait3A_204 = arith.constant 0 : i32
        %dma_wait3A_205 = tpu.memref_slice %arg5[%dma_wait3A, %mul3A_200, %dma_wait3A_204] : memref<2x2048x1024xf32, #tpu.memory_space<vmem>> -> memref<1x256x1024xf32, #tpu.memory_space<vmem>>
        %dma_wait3A_206 = tpu.memref_squeeze %dma_wait3A_205 : memref<1x256x1024xf32, #tpu.memory_space<vmem>> -> memref<256x1024xf32, #tpu.memory_space<vmem>>
        %dma_wait3A_207 = arith.constant 0 : i32
        %dma_wait3A_208 = tpu.memref_slice %arg3[%arg0, %mul3A_198, %dma_wait3A_207] : memref<16x2048x1024xf32, #tpu.memory_space<any>> -> memref<1x256x1024xf32, #tpu.memory_space<any>>
        %dma_wait3A_209 = tpu.memref_squeeze %dma_wait3A_208 : memref<1x256x1024xf32, #tpu.memory_space<any>> -> memref<256x1024xf32, #tpu.memory_space<any>>
        tpu.wait_dma2 semaphore(%dma_wait3A_203 : memref<!tpu.dma_semaphore, #tpu.memory_space<semaphore_mem>>) src(%dma_wait3A_209 : memref<256x1024xf32, #tpu.memory_space<any>>) dst(%dma_wait3A_206 : memref<256x1024xf32, #tpu.memory_space<vmem>>)
      } else {
      }
      %scan3A_162 = arith.constant 1 : i32
      %lt3A_163 = arith.cmpi slt, %scan3A_162, %select_n3A_157 : i32
      %convert_element_type3A_164 = arith.extui %lt3A_163 : i1 to i32
      %cond3A_165 = arith.constant 0 : i32
      %cond3A_166 = arith.cmpi ne, %convert_element_type3A_164, %cond3A_165 : i32
      scf.if %cond3A_166 {
        %mul3A = arith.constant 256 : i32
        %mul3A_198 = arith.muli %scan3A_162, %mul3A : i32
        %mul3A_199 = arith.constant 256 : i32
        %mul3A_200 = arith.muli %scan3A_162, %mul3A_199 : i32
        %dma_wait3A = arith.constant 1 : i32
        %dma_wait3A_201 = arith.constant 1 : i32
        %dma_wait3A_202 = tpu.memref_slice %arg6[%dma_wait3A_201] : memref<2x!tpu.dma_semaphore, #tpu.memory_space<semaphore_mem>> -> memref<1x!tpu.dma_semaphore, #tpu.memory_space<semaphore_mem>>
        %dma_wait3A_203 = tpu.memref_squeeze %dma_wait3A_202 : memref<1x!tpu.dma_semaphore, #tpu.memory_space<semaphore_mem>> -> memref<!tpu.dma_semaphore, #tpu.memory_space<semaphore_mem>>
        %dma_wait3A_204 = arith.constant 0 : i32
        %dma_wait3A_205 = tpu.memref_slice %arg5[%dma_wait3A, %mul3A_200, %dma_wait3A_204] : memref<2x2048x1024xf32, #tpu.memory_space<vmem>> -> memref<1x256x1024xf32, #tpu.memory_space<vmem>>
        %dma_wait3A_206 = tpu.memref_squeeze %dma_wait3A_205 : memref<1x256x1024xf32, #tpu.memory_space<vmem>> -> memref<256x1024xf32, #tpu.memory_space<vmem>>
        %dma_wait3A_207 = arith.constant 0 : i32
        %dma_wait3A_208 = tpu.memref_slice %arg3[%arg0, %mul3A_198, %dma_wait3A_207] : memref<16x2048x1024xf32, #tpu.memory_space<any>> -> memref<1x256x1024xf32, #tpu.memory_space<any>>
        %dma_wait3A_209 = tpu.memref_squeeze %dma_wait3A_208 : memref<1x256x1024xf32, #tpu.memory_space<any>> -> memref<256x1024xf32, #tpu.memory_space<any>>
        tpu.wait_dma2 semaphore(%dma_wait3A_203 : memref<!tpu.dma_semaphore, #tpu.memory_space<semaphore_mem>>) src(%dma_wait3A_209 : memref<256x1024xf32, #tpu.memory_space<any>>) dst(%dma_wait3A_206 : memref<256x1024xf32, #tpu.memory_space<vmem>>)
      } else {
      }
      %scan3A_167 = arith.constant 2 : i32
      %lt3A_168 = arith.cmpi slt, %scan3A_167, %select_n3A_157 : i32
      %convert_element_type3A_169 = arith.extui %lt3A_168 : i1 to i32
      %cond3A_170 = arith.constant 0 : i32
      %cond3A_171 = arith.cmpi ne, %convert_element_type3A_169, %cond3A_170 : i32
      scf.if %cond3A_171 {
        %mul3A = arith.constant 256 : i32
        %mul3A_198 = arith.muli %scan3A_167, %mul3A : i32
        %mul3A_199 = arith.constant 256 : i32
        %mul3A_200 = arith.muli %scan3A_167, %mul3A_199 : i32
        %dma_wait3A = arith.constant 1 : i32
        %dma_wait3A_201 = arith.constant 1 : i32
        %dma_wait3A_202 = tpu.memref_slice %arg6[%dma_wait3A_201] : memref<2x!tpu.dma_semaphore, #tpu.memory_space<semaphore_mem>> -> memref<1x!tpu.dma_semaphore, #tpu.memory_space<semaphore_mem>>
        %dma_wait3A_203 = tpu.memref_squeeze %dma_wait3A_202 : memref<1x!tpu.dma_semaphore, #tpu.memory_space<semaphore_mem>> -> memref<!tpu.dma_semaphore, #tpu.memory_space<semaphore_mem>>
        %dma_wait3A_204 = arith.constant 0 : i32
        %dma_wait3A_205 = tpu.memref_slice %arg5[%dma_wait3A, %mul3A_200, %dma_wait3A_204] : memref<2x2048x1024xf32, #tpu.memory_space<vmem>> -> memref<1x256x1024xf32, #tpu.memory_space<vmem>>
        %dma_wait3A_206 = tpu.memref_squeeze %dma_wait3A_205 : memref<1x256x1024xf32, #tpu.memory_space<vmem>> -> memref<256x1024xf32, #tpu.memory_space<vmem>>
        %dma_wait3A_207 = arith.constant 0 : i32
        %dma_wait3A_208 = tpu.memref_slice %arg3[%arg0, %mul3A_198, %dma_wait3A_207] : memref<16x2048x1024xf32, #tpu.memory_space<any>> -> memref<1x256x1024xf32, #tpu.memory_space<any>>
        %dma_wait3A_209 = tpu.memref_squeeze %dma_wait3A_208 : memref<1x256x1024xf32, #tpu.memory_space<any>> -> memref<256x1024xf32, #tpu.memory_space<any>>
        tpu.wait_dma2 semaphore(%dma_wait3A_203 : memref<!tpu.dma_semaphore, #tpu.memory_space<semaphore_mem>>) src(%dma_wait3A_209 : memref<256x1024xf32, #tpu.memory_space<any>>) dst(%dma_wait3A_206 : memref<256x1024xf32, #tpu.memory_space<vmem>>)
      } else {
      }
      %scan3A_172 = arith.constant 3 : i32
      %lt3A_173 = arith.cmpi slt, %scan3A_172, %select_n3A_157 : i32
      %convert_element_type3A_174 = arith.extui %lt3A_173 : i1 to i32
      %cond3A_175 = arith.constant 0 : i32
      %cond3A_176 = arith.cmpi ne, %convert_element_type3A_174, %cond3A_175 : i32
      scf.if %cond3A_176 {
        %mul3A = arith.constant 256 : i32
        %mul3A_198 = arith.muli %scan3A_172, %mul3A : i32
        %mul3A_199 = arith.constant 256 : i32
        %mul3A_200 = arith.muli %scan3A_172, %mul3A_199 : i32
        %dma_wait3A = arith.constant 1 : i32
        %dma_wait3A_201 = arith.constant 1 : i32
        %dma_wait3A_202 = tpu.memref_slice %arg6[%dma_wait3A_201] : memref<2x!tpu.dma_semaphore, #tpu.memory_space<semaphore_mem>> -> memref<1x!tpu.dma_semaphore, #tpu.memory_space<semaphore_mem>>
        %dma_wait3A_203 = tpu.memref_squeeze %dma_wait3A_202 : memref<1x!tpu.dma_semaphore, #tpu.memory_space<semaphore_mem>> -> memref<!tpu.dma_semaphore, #tpu.memory_space<semaphore_mem>>
        %dma_wait3A_204 = arith.constant 0 : i32
        %dma_wait3A_205 = tpu.memref_slice %arg5[%dma_wait3A, %mul3A_200, %dma_wait3A_204] : memref<2x2048x1024xf32, #tpu.memory_space<vmem>> -> memref<1x256x1024xf32, #tpu.memory_space<vmem>>
        %dma_wait3A_206 = tpu.memref_squeeze %dma_wait3A_205 : memref<1x256x1024xf32, #tpu.memory_space<vmem>> -> memref<256x1024xf32, #tpu.memory_space<vmem>>
        %dma_wait3A_207 = arith.constant 0 : i32
        %dma_wait3A_208 = tpu.memref_slice %arg3[%arg0, %mul3A_198, %dma_wait3A_207] : memref<16x2048x1024xf32, #tpu.memory_space<any>> -> memref<1x256x1024xf32, #tpu.memory_space<any>>
        %dma_wait3A_209 = tpu.memref_squeeze %dma_wait3A_208 : memref<1x256x1024xf32, #tpu.memory_space<any>> -> memref<256x1024xf32, #tpu.memory_space<any>>
        tpu.wait_dma2 semaphore(%dma_wait3A_203 : memref<!tpu.dma_semaphore, #tpu.memory_space<semaphore_mem>>) src(%dma_wait3A_209 : memref<256x1024xf32, #tpu.memory_space<any>>) dst(%dma_wait3A_206 : memref<256x1024xf32, #tpu.memory_space<vmem>>)
      } else {
      }
      %scan3A_177 = arith.constant 4 : i32
      %lt3A_178 = arith.cmpi slt, %scan3A_177, %select_n3A_157 : i32
      %convert_element_type3A_179 = arith.extui %lt3A_178 : i1 to i32
      %cond3A_180 = arith.constant 0 : i32
      %cond3A_181 = arith.cmpi ne, %convert_element_type3A_179, %cond3A_180 : i32
      scf.if %cond3A_181 {
        %mul3A = arith.constant 256 : i32
        %mul3A_198 = arith.muli %scan3A_177, %mul3A : i32
        %mul3A_199 = arith.constant 256 : i32
        %mul3A_200 = arith.muli %scan3A_177, %mul3A_199 : i32
        %dma_wait3A = arith.constant 1 : i32
        %dma_wait3A_201 = arith.constant 1 : i32
        %dma_wait3A_202 = tpu.memref_slice %arg6[%dma_wait3A_201] : memref<2x!tpu.dma_semaphore, #tpu.memory_space<semaphore_mem>> -> memref<1x!tpu.dma_semaphore, #tpu.memory_space<semaphore_mem>>
        %dma_wait3A_203 = tpu.memref_squeeze %dma_wait3A_202 : memref<1x!tpu.dma_semaphore, #tpu.memory_space<semaphore_mem>> -> memref<!tpu.dma_semaphore, #tpu.memory_space<semaphore_mem>>
        %dma_wait3A_204 = arith.constant 0 : i32
        %dma_wait3A_205 = tpu.memref_slice %arg5[%dma_wait3A, %mul3A_200, %dma_wait3A_204] : memref<2x2048x1024xf32, #tpu.memory_space<vmem>> -> memref<1x256x1024xf32, #tpu.memory_space<vmem>>
        %dma_wait3A_206 = tpu.memref_squeeze %dma_wait3A_205 : memref<1x256x1024xf32, #tpu.memory_space<vmem>> -> memref<256x1024xf32, #tpu.memory_space<vmem>>
        %dma_wait3A_207 = arith.constant 0 : i32
        %dma_wait3A_208 = tpu.memref_slice %arg3[%arg0, %mul3A_198, %dma_wait3A_207] : memref<16x2048x1024xf32, #tpu.memory_space<any>> -> memref<1x256x1024xf32, #tpu.memory_space<any>>
        %dma_wait3A_209 = tpu.memref_squeeze %dma_wait3A_208 : memref<1x256x1024xf32, #tpu.memory_space<any>> -> memref<256x1024xf32, #tpu.memory_space<any>>
        tpu.wait_dma2 semaphore(%dma_wait3A_203 : memref<!tpu.dma_semaphore, #tpu.memory_space<semaphore_mem>>) src(%dma_wait3A_209 : memref<256x1024xf32, #tpu.memory_space<any>>) dst(%dma_wait3A_206 : memref<256x1024xf32, #tpu.memory_space<vmem>>)
      } else {
      }
      %scan3A_182 = arith.constant 5 : i32
      %lt3A_183 = arith.cmpi slt, %scan3A_182, %select_n3A_157 : i32
      %convert_element_type3A_184 = arith.extui %lt3A_183 : i1 to i32
      %cond3A_185 = arith.constant 0 : i32
      %cond3A_186 = arith.cmpi ne, %convert_element_type3A_184, %cond3A_185 : i32
      scf.if %cond3A_186 {
        %mul3A = arith.constant 256 : i32
        %mul3A_198 = arith.muli %scan3A_182, %mul3A : i32
        %mul3A_199 = arith.constant 256 : i32
        %mul3A_200 = arith.muli %scan3A_182, %mul3A_199 : i32
        %dma_wait3A = arith.constant 1 : i32
        %dma_wait3A_201 = arith.constant 1 : i32
        %dma_wait3A_202 = tpu.memref_slice %arg6[%dma_wait3A_201] : memref<2x!tpu.dma_semaphore, #tpu.memory_space<semaphore_mem>> -> memref<1x!tpu.dma_semaphore, #tpu.memory_space<semaphore_mem>>
        %dma_wait3A_203 = tpu.memref_squeeze %dma_wait3A_202 : memref<1x!tpu.dma_semaphore, #tpu.memory_space<semaphore_mem>> -> memref<!tpu.dma_semaphore, #tpu.memory_space<semaphore_mem>>
        %dma_wait3A_204 = arith.constant 0 : i32
        %dma_wait3A_205 = tpu.memref_slice %arg5[%dma_wait3A, %mul3A_200, %dma_wait3A_204] : memref<2x2048x1024xf32, #tpu.memory_space<vmem>> -> memref<1x256x1024xf32, #tpu.memory_space<vmem>>
        %dma_wait3A_206 = tpu.memref_squeeze %dma_wait3A_205 : memref<1x256x1024xf32, #tpu.memory_space<vmem>> -> memref<256x1024xf32, #tpu.memory_space<vmem>>
        %dma_wait3A_207 = arith.constant 0 : i32
        %dma_wait3A_208 = tpu.memref_slice %arg3[%arg0, %mul3A_198, %dma_wait3A_207] : memref<16x2048x1024xf32, #tpu.memory_space<any>> -> memref<1x256x1024xf32, #tpu.memory_space<any>>
        %dma_wait3A_209 = tpu.memref_squeeze %dma_wait3A_208 : memref<1x256x1024xf32, #tpu.memory_space<any>> -> memref<256x1024xf32, #tpu.memory_space<any>>
        tpu.wait_dma2 semaphore(%dma_wait3A_203 : memref<!tpu.dma_semaphore, #tpu.memory_space<semaphore_mem>>) src(%dma_wait3A_209 : memref<256x1024xf32, #tpu.memory_space<any>>) dst(%dma_wait3A_206 : memref<256x1024xf32, #tpu.memory_space<vmem>>)
      } else {
      }
      %scan3A_187 = arith.constant 6 : i32
      %lt3A_188 = arith.cmpi slt, %scan3A_187, %select_n3A_157 : i32
      %convert_element_type3A_189 = arith.extui %lt3A_188 : i1 to i32
      %cond3A_190 = arith.constant 0 : i32
      %cond3A_191 = arith.cmpi ne, %convert_element_type3A_189, %cond3A_190 : i32
      scf.if %cond3A_191 {
        %mul3A = arith.constant 256 : i32
        %mul3A_198 = arith.muli %scan3A_187, %mul3A : i32
        %mul3A_199 = arith.constant 256 : i32
        %mul3A_200 = arith.muli %scan3A_187, %mul3A_199 : i32
        %dma_wait3A = arith.constant 1 : i32
        %dma_wait3A_201 = arith.constant 1 : i32
        %dma_wait3A_202 = tpu.memref_slice %arg6[%dma_wait3A_201] : memref<2x!tpu.dma_semaphore, #tpu.memory_space<semaphore_mem>> -> memref<1x!tpu.dma_semaphore, #tpu.memory_space<semaphore_mem>>
        %dma_wait3A_203 = tpu.memref_squeeze %dma_wait3A_202 : memref<1x!tpu.dma_semaphore, #tpu.memory_space<semaphore_mem>> -> memref<!tpu.dma_semaphore, #tpu.memory_space<semaphore_mem>>
        %dma_wait3A_204 = arith.constant 0 : i32
        %dma_wait3A_205 = tpu.memref_slice %arg5[%dma_wait3A, %mul3A_200, %dma_wait3A_204] : memref<2x2048x1024xf32, #tpu.memory_space<vmem>> -> memref<1x256x1024xf32, #tpu.memory_space<vmem>>
        %dma_wait3A_206 = tpu.memref_squeeze %dma_wait3A_205 : memref<1x256x1024xf32, #tpu.memory_space<vmem>> -> memref<256x1024xf32, #tpu.memory_space<vmem>>
        %dma_wait3A_207 = arith.constant 0 : i32
        %dma_wait3A_208 = tpu.memref_slice %arg3[%arg0, %mul3A_198, %dma_wait3A_207] : memref<16x2048x1024xf32, #tpu.memory_space<any>> -> memref<1x256x1024xf32, #tpu.memory_space<any>>
        %dma_wait3A_209 = tpu.memref_squeeze %dma_wait3A_208 : memref<1x256x1024xf32, #tpu.memory_space<any>> -> memref<256x1024xf32, #tpu.memory_space<any>>
        tpu.wait_dma2 semaphore(%dma_wait3A_203 : memref<!tpu.dma_semaphore, #tpu.memory_space<semaphore_mem>>) src(%dma_wait3A_209 : memref<256x1024xf32, #tpu.memory_space<any>>) dst(%dma_wait3A_206 : memref<256x1024xf32, #tpu.memory_space<vmem>>)
      } else {
      }
      %scan3A_192 = arith.constant 7 : i32
      %lt3A_193 = arith.cmpi slt, %scan3A_192, %select_n3A_157 : i32
      %convert_element_type3A_194 = arith.extui %lt3A_193 : i1 to i32
      %cond3A_195 = arith.constant 0 : i32
      %cond3A_196 = arith.cmpi ne, %convert_element_type3A_194, %cond3A_195 : i32
      scf.if %cond3A_196 {
        %mul3A = arith.constant 256 : i32
        %mul3A_198 = arith.muli %scan3A_192, %mul3A : i32
        %mul3A_199 = arith.constant 256 : i32
        %mul3A_200 = arith.muli %scan3A_192, %mul3A_199 : i32
        %dma_wait3A = arith.constant 1 : i32
        %dma_wait3A_201 = arith.constant 1 : i32
        %dma_wait3A_202 = tpu.memref_slice %arg6[%dma_wait3A_201] : memref<2x!tpu.dma_semaphore, #tpu.memory_space<semaphore_mem>> -> memref<1x!tpu.dma_semaphore, #tpu.memory_space<semaphore_mem>>
        %dma_wait3A_203 = tpu.memref_squeeze %dma_wait3A_202 : memref<1x!tpu.dma_semaphore, #tpu.memory_space<semaphore_mem>> -> memref<!tpu.dma_semaphore, #tpu.memory_space<semaphore_mem>>
        %dma_wait3A_204 = arith.constant 0 : i32
        %dma_wait3A_205 = tpu.memref_slice %arg5[%dma_wait3A, %mul3A_200, %dma_wait3A_204] : memref<2x2048x1024xf32, #tpu.memory_space<vmem>> -> memref<1x256x1024xf32, #tpu.memory_space<vmem>>
        %dma_wait3A_206 = tpu.memref_squeeze %dma_wait3A_205 : memref<1x256x1024xf32, #tpu.memory_space<vmem>> -> memref<256x1024xf32, #tpu.memory_space<vmem>>
        %dma_wait3A_207 = arith.constant 0 : i32
        %dma_wait3A_208 = tpu.memref_slice %arg3[%arg0, %mul3A_198, %dma_wait3A_207] : memref<16x2048x1024xf32, #tpu.memory_space<any>> -> memref<1x256x1024xf32, #tpu.memory_space<any>>
        %dma_wait3A_209 = tpu.memref_squeeze %dma_wait3A_208 : memref<1x256x1024xf32, #tpu.memory_space<any>> -> memref<256x1024xf32, #tpu.memory_space<any>>
        tpu.wait_dma2 semaphore(%dma_wait3A_203 : memref<!tpu.dma_semaphore, #tpu.memory_space<semaphore_mem>>) src(%dma_wait3A_209 : memref<256x1024xf32, #tpu.memory_space<any>>) dst(%dma_wait3A_206 : memref<256x1024xf32, #tpu.memory_space<vmem>>)
      } else {
      }
      %scan3A_197 = arith.constant 8 : i32
    } else {
    }
    %get3A = arith.index_cast %arg0 : i32 to index
    %get3A_87 = memref.load %arg1[%get3A] : memref<16xi32, #tpu.memory_space<smem>>
    %broadcast_in_dim3A = arith.constant 0.000000e+00 : f32
    %broadcast_in_dim3A_88 = vector.broadcast %broadcast_in_dim3A : f32 to vector<256x1024xf32>
    %jit3A_89 = arith.constant 2 : i32
    %eq3A_90 = arith.constant 0 : i32
    %eq3A_91 = arith.cmpi eq, %jit3A_89, %eq3A_90 : i32
    %jit3A_92 = arith.constant 1 : i32
    %select_n3A_93 = arith.select %eq3A_91, %jit3A_92, %jit3A_89 : i32
    %rem3A_94 = arith.remsi %arg0, %select_n3A_93 : i32
    %ne3A_95 = arith.constant 0 : i32
    %ne3A_96 = arith.cmpi ne, %rem3A_94, %ne3A_95 : i32
    %lt3A_97 = arith.constant 0 : i32
    %lt3A_98 = arith.cmpi slt, %rem3A_94, %lt3A_97 : i32
    %lt3A_99 = arith.constant 0 : i32
    %lt3A_100 = arith.cmpi slt, %select_n3A_93, %lt3A_99 : i32
    %ne3A_101 = arith.xori %lt3A_98, %lt3A_100 : i1
    %and3A_102 = arith.andi %ne3A_101, %ne3A_96 : i1
    %add3A_103 = arith.addi %rem3A_94, %select_n3A_93 : i32
    %select_n3A_104 = arith.select %and3A_102, %add3A_103, %rem3A_94 : i32
    %eq3A_105 = arith.constant 0 : i32
    %eq3A_106 = arith.cmpi eq, %select_n3A_104, %eq3A_105 : i32
    %convert_element_type3A_107 = arith.extui %eq3A_106 : i1 to i32
    %cond3A_108 = arith.constant 0 : i32
    %cond3A_109 = arith.cmpi ne, %convert_element_type3A_107, %cond3A_108 : i32
    scf.if %cond3A_109 {
      %gt3A = arith.constant 0 : i32
      %gt3A_131 = arith.cmpi sgt, %get3A_87, %gt3A : i32
      %convert_element_type3A_132 = arith.extui %gt3A_131 : i1 to i32
      %cond3A_133 = arith.constant 0 : i32
      %cond3A_134 = arith.cmpi ne, %convert_element_type3A_132, %cond3A_133 : i32
      scf.if %cond3A_134 {
        %iota3A = tpu.iota {dimensions = array<i32: 0>} : vector<256x1xi32>
        %add3A_209 = arith.constant 0 : i32
        %add3A_210 = vector.broadcast %add3A_209 : i32 to vector<256x1xi32>
        %add3A_211 = arith.addi %iota3A, %add3A_210 : vector<256x1xi32>
        %get3A_212 = arith.constant 0 : index
        %get3A_213 = arith.constant 0 : index
        %get3A_214 = arith.constant 0 : index
        %get3A_215 = vector.load %arg2[%get3A_212, %get3A_213, %get3A_214] : memref<1x1x2048xi32, #tpu.memory_space<vmem>>, vector<1x1x256xi32>
        %get3A_216 = vector.shape_cast %get3A_215 : vector<1x1x256xi32> to vector<256xi32>
        %broadcast_in_dim3A_217 = vector.shape_cast %get3A_216 : vector<256xi32> to vector<256x1xi32>
        %lt3A_218 = vector.broadcast %get3A_87 : i32 to vector<256x1xi32>
        %lt3A_219 = arith.cmpi slt, %add3A_211, %lt3A_218 : vector<256x1xi32>
        %gt3A_220 = arith.constant 0 : i32
        %gt3A_221 = vector.broadcast %gt3A_220 : i32 to vector<256x1xi32>
        %gt3A_222 = arith.cmpi sgt, %broadcast_in_dim3A_217, %gt3A_221 : vector<256x1xi32>
        %and3A_223 = arith.andi %lt3A_219, %gt3A_222 : vector<256x1xi1>
        %get3A_224 = arith.constant 0 : index
        %get3A_225 = arith.constant 0 : index
        %get3A_226 = arith.constant 0 : index
        %get3A_227 = vector.load %arg5[%get3A_224, %get3A_225, %get3A_226] : memref<2x2048x1024xf32, #tpu.memory_space<vmem>>, vector<1x256x1024xf32>
        %get3A_228 = vector.shape_cast %get3A_227 : vector<1x256x1024xf32> to vector<256x1024xf32>
        %broadcast_in_dim3A_229 = vector.shape_cast %and3A_223 : vector<256x1xi1> to vector<256x1xi1>
        %broadcast_in_dim3A_230 = vector.broadcast %broadcast_in_dim3A_229 : vector<256x1xi1> to vector<256x1024xi1>
        %select_n3A_231 = arith.select %broadcast_in_dim3A_230, %get3A_228, %broadcast_in_dim3A_88 : vector<256x1024xi1>, vector<256x1024xf32>
        %swap3A = arith.constant 0 : index
        %swap3A_232 = arith.constant 0 : index
        %swap3A_233 = arith.constant 0 : index
        %swap3A_234 = vector.load %arg4[%swap3A, %swap3A_232, %swap3A_233] : memref<1x2048x1024xf32, #tpu.memory_space<vmem>>, vector<1x256x1024xf32>
        %swap3A_235 = vector.shape_cast %swap3A_234 : vector<1x256x1024xf32> to vector<256x1024xf32>
        %swap3A_236 = vector.shape_cast %select_n3A_231 : vector<256x1024xf32> to vector<1x256x1024xf32>
        tpu.vector_store %arg4[%swap3A, %swap3A_232, %swap3A_233], %swap3A_236 {strides = array<i32>} : memref<1x2048x1024xf32, #tpu.memory_space<vmem>>, vector<1x256x1024xf32>,
      } else {
      }
      %le3A = arith.constant 0 : i32
      %le3A_135 = arith.cmpi sle, %get3A_87, %le3A : i32
      %convert_element_type3A_136 = arith.extui %le3A_135 : i1 to i32
      %cond3A_137 = arith.constant 0 : i32
      %cond3A_138 = arith.cmpi ne, %convert_element_type3A_136, %cond3A_137 : i32
      scf.if %cond3A_138 {
        %swap3A = arith.constant 0 : index
        %swap3A_209 = arith.constant 0 : index
        %swap3A_210 = arith.constant 0 : index
        %swap3A_211 = vector.load %arg4[%swap3A, %swap3A_209, %swap3A_210] : memref<1x2048x1024xf32, #tpu.memory_space<vmem>>, vector<1x256x1024xf32>
        %swap3A_212 = vector.shape_cast %swap3A_211 : vector<1x256x1024xf32> to vector<256x1024xf32>
        %swap3A_213 = vector.shape_cast %broadcast_in_dim3A_88 : vector<256x1024xf32> to vector<1x256x1024xf32>
        tpu.vector_store %arg4[%swap3A, %swap3A_209, %swap3A_210], %swap3A_213 {strides = array<i32>} : memref<1x2048x1024xf32, #tpu.memory_space<vmem>>, vector<1x256x1024xf32>,
      } else {
      }
      %gt3A_139 = arith.constant 256 : i32
      %gt3A_140 = arith.cmpi sgt, %get3A_87, %gt3A_139 : i32
      %convert_element_type3A_141 = arith.extui %gt3A_140 : i1 to i32
      %cond3A_142 = arith.constant 0 : i32
      %cond3A_143 = arith.cmpi ne, %convert_element_type3A_141, %cond3A_142 : i32
      scf.if %cond3A_143 {
        %iota3A = tpu.iota {dimensions = array<i32: 0>} : vector<256x1xi32>
        %add3A_209 = arith.constant 256 : i32
        %add3A_210 = vector.broadcast %add3A_209 : i32 to vector<256x1xi32>
        %add3A_211 = arith.addi %iota3A, %add3A_210 : vector<256x1xi32>
        %get3A_212 = arith.constant 0 : index
        %get3A_213 = arith.constant 0 : index
        %get3A_214 = arith.constant 256 : index
        %get3A_215 = vector.load %arg2[%get3A_212, %get3A_213, %get3A_214] : memref<1x1x2048xi32, #tpu.memory_space<vmem>>, vector<1x1x256xi32>
        %get3A_216 = vector.shape_cast %get3A_215 : vector<1x1x256xi32> to vector<256xi32>
        %broadcast_in_dim3A_217 = vector.shape_cast %get3A_216 : vector<256xi32> to vector<256x1xi32>
        %lt3A_218 = vector.broadcast %get3A_87 : i32 to vector<256x1xi32>
        %lt3A_219 = arith.cmpi slt, %add3A_211, %lt3A_218 : vector<256x1xi32>
        %gt3A_220 = arith.constant 0 : i32
        %gt3A_221 = vector.broadcast %gt3A_220 : i32 to vector<256x1xi32>
        %gt3A_222 = arith.cmpi sgt, %broadcast_in_dim3A_217, %gt3A_221 : vector<256x1xi32>
        %and3A_223 = arith.andi %lt3A_219, %gt3A_222 : vector<256x1xi1>
        %get3A_224 = arith.constant 0 : index
        %get3A_225 = arith.constant 256 : index
        %get3A_226 = arith.constant 0 : index
        %get3A_227 = vector.load %arg5[%get3A_224, %get3A_225, %get3A_226] : memref<2x2048x1024xf32, #tpu.memory_space<vmem>>, vector<1x256x1024xf32>
        %get3A_228 = vector.shape_cast %get3A_227 : vector<1x256x1024xf32> to vector<256x1024xf32>
        %broadcast_in_dim3A_229 = vector.shape_cast %and3A_223 : vector<256x1xi1> to vector<256x1xi1>
        %broadcast_in_dim3A_230 = vector.broadcast %broadcast_in_dim3A_229 : vector<256x1xi1> to vector<256x1024xi1>
        %select_n3A_231 = arith.select %broadcast_in_dim3A_230, %get3A_228, %broadcast_in_dim3A_88 : vector<256x1024xi1>, vector<256x1024xf32>
        %swap3A = arith.constant 0 : index
        %swap3A_232 = arith.constant 256 : index
        %swap3A_233 = arith.constant 0 : index
        %swap3A_234 = vector.load %arg4[%swap3A, %swap3A_232, %swap3A_233] : memref<1x2048x1024xf32, #tpu.memory_space<vmem>>, vector<1x256x1024xf32>
        %swap3A_235 = vector.shape_cast %swap3A_234 : vector<1x256x1024xf32> to vector<256x1024xf32>
        %swap3A_236 = vector.shape_cast %select_n3A_231 : vector<256x1024xf32> to vector<1x256x1024xf32>
        tpu.vector_store %arg4[%swap3A, %swap3A_232, %swap3A_233], %swap3A_236 {strides = array<i32>} : memref<1x2048x1024xf32, #tpu.memory_space<vmem>>, vector<1x256x1024xf32>,
      } else {
      }
      %le3A_144 = arith.constant 256 : i32
      %le3A_145 = arith.cmpi sle, %get3A_87, %le3A_144 : i32
      %convert_element_type3A_146 = arith.extui %le3A_145 : i1 to i32
      %cond3A_147 = arith.constant 0 : i32
      %cond3A_148 = arith.cmpi ne, %convert_element_type3A_146, %cond3A_147 : i32
      scf.if %cond3A_148 {
        %swap3A = arith.constant 0 : index
        %swap3A_209 = arith.constant 256 : index
        %swap3A_210 = arith.constant 0 : index
        %swap3A_211 = vector.load %arg4[%swap3A, %swap3A_209, %swap3A_210] : memref<1x2048x1024xf32, #tpu.memory_space<vmem>>, vector<1x256x1024xf32>
        %swap3A_212 = vector.shape_cast %swap3A_211 : vector<1x256x1024xf32> to vector<256x1024xf32>
        %swap3A_213 = vector.shape_cast %broadcast_in_dim3A_88 : vector<256x1024xf32> to vector<1x256x1024xf32>
        tpu.vector_store %arg4[%swap3A, %swap3A_209, %swap3A_210], %swap3A_213 {strides = array<i32>} : memref<1x2048x1024xf32, #tpu.memory_space<vmem>>, vector<1x256x1024xf32>,
      } else {
      }
      %gt3A_149 = arith.constant 512 : i32
      %gt3A_150 = arith.cmpi sgt, %get3A_87, %gt3A_149 : i32
      %convert_element_type3A_151 = arith.extui %gt3A_150 : i1 to i32
      %cond3A_152 = arith.constant 0 : i32
      %cond3A_153 = arith.cmpi ne, %convert_element_type3A_151, %cond3A_152 : i32
      scf.if %cond3A_153 {
        %iota3A = tpu.iota {dimensions = array<i32: 0>} : vector<256x1xi32>
        %add3A_209 = arith.constant 512 : i32
        %add3A_210 = vector.broadcast %add3A_209 : i32 to vector<256x1xi32>
        %add3A_211 = arith.addi %iota3A, %add3A_210 : vector<256x1xi32>
        %get3A_212 = arith.constant 0 : index
        %get3A_213 = arith.constant 0 : index
        %get3A_214 = arith.constant 512 : index
        %get3A_215 = vector.load %arg2[%get3A_212, %get3A_213, %get3A_214] : memref<1x1x2048xi32, #tpu.memory_space<vmem>>, vector<1x1x256xi32>
        %get3A_216 = vector.shape_cast %get3A_215 : vector<1x1x256xi32> to vector<256xi32>
        %broadcast_in_dim3A_217 = vector.shape_cast %get3A_216 : vector<256xi32> to vector<256x1xi32>
        %lt3A_218 = vector.broadcast %get3A_87 : i32 to vector<256x1xi32>
        %lt3A_219 = arith.cmpi slt, %add3A_211, %lt3A_218 : vector<256x1xi32>
        %gt3A_220 = arith.constant 0 : i32
        %gt3A_221 = vector.broadcast %gt3A_220 : i32 to vector<256x1xi32>
        %gt3A_222 = arith.cmpi sgt, %broadcast_in_dim3A_217, %gt3A_221 : vector<256x1xi32>
        %and3A_223 = arith.andi %lt3A_219, %gt3A_222 : vector<256x1xi1>
        %get3A_224 = arith.constant 0 : index
        %get3A_225 = arith.constant 512 : index
        %get3A_226 = arith.constant 0 : index
        %get3A_227 = vector.load %arg5[%get3A_224, %get3A_225, %get3A_226] : memref<2x2048x1024xf32, #tpu.memory_space<vmem>>, vector<1x256x1024xf32>
        %get3A_228 = vector.shape_cast %get3A_227 : vector<1x256x1024xf32> to vector<256x1024xf32>
        %broadcast_in_dim3A_229 = vector.shape_cast %and3A_223 : vector<256x1xi1> to vector<256x1xi1>
        %broadcast_in_dim3A_230 = vector.broadcast %broadcast_in_dim3A_229 : vector<256x1xi1> to vector<256x1024xi1>
        %select_n3A_231 = arith.select %broadcast_in_dim3A_230, %get3A_228, %broadcast_in_dim3A_88 : vector<256x1024xi1>, vector<256x1024xf32>
        %swap3A = arith.constant 0 : index
        %swap3A_232 = arith.constant 512 : index
        %swap3A_233 = arith.constant 0 : index
        %swap3A_234 = vector.load %arg4[%swap3A, %swap3A_232, %swap3A_233] : memref<1x2048x1024xf32, #tpu.memory_space<vmem>>, vector<1x256x1024xf32>
        %swap3A_235 = vector.shape_cast %swap3A_234 : vector<1x256x1024xf32> to vector<256x1024xf32>
        %swap3A_236 = vector.shape_cast %select_n3A_231 : vector<256x1024xf32> to vector<1x256x1024xf32>
        tpu.vector_store %arg4[%swap3A, %swap3A_232, %swap3A_233], %swap3A_236 {strides = array<i32>} : memref<1x2048x1024xf32, #tpu.memory_space<vmem>>, vector<1x256x1024xf32>,
      } else {
      }
      %le3A_154 = arith.constant 512 : i32
      %le3A_155 = arith.cmpi sle, %get3A_87, %le3A_154 : i32
      %convert_element_type3A_156 = arith.extui %le3A_155 : i1 to i32
      %cond3A_157 = arith.constant 0 : i32
      %cond3A_158 = arith.cmpi ne, %convert_element_type3A_156, %cond3A_157 : i32
      scf.if %cond3A_158 {
        %swap3A = arith.constant 0 : index
        %swap3A_209 = arith.constant 512 : index
        %swap3A_210 = arith.constant 0 : index
        %swap3A_211 = vector.load %arg4[%swap3A, %swap3A_209, %swap3A_210] : memref<1x2048x1024xf32, #tpu.memory_space<vmem>>, vector<1x256x1024xf32>
        %swap3A_212 = vector.shape_cast %swap3A_211 : vector<1x256x1024xf32> to vector<256x1024xf32>
        %swap3A_213 = vector.shape_cast %broadcast_in_dim3A_88 : vector<256x1024xf32> to vector<1x256x1024xf32>
        tpu.vector_store %arg4[%swap3A, %swap3A_209, %swap3A_210], %swap3A_213 {strides = array<i32>} : memref<1x2048x1024xf32, #tpu.memory_space<vmem>>, vector<1x256x1024xf32>,
      } else {
      }
      %gt3A_159 = arith.constant 768 : i32
      %gt3A_160 = arith.cmpi sgt, %get3A_87, %gt3A_159 : i32
      %convert_element_type3A_161 = arith.extui %gt3A_160 : i1 to i32
      %cond3A_162 = arith.constant 0 : i32
      %cond3A_163 = arith.cmpi ne, %convert_element_type3A_161, %cond3A_162 : i32
      scf.if %cond3A_163 {
        %iota3A = tpu.iota {dimensions = array<i32: 0>} : vector<256x1xi32>
        %add3A_209 = arith.constant 768 : i32
        %add3A_210 = vector.broadcast %add3A_209 : i32 to vector<256x1xi32>
        %add3A_211 = arith.addi %iota3A, %add3A_210 : vector<256x1xi32>
        %get3A_212 = arith.constant 0 : index
        %get3A_213 = arith.constant 0 : index
        %get3A_214 = arith.constant 768 : index
        %get3A_215 = vector.load %arg2[%get3A_212, %get3A_213, %get3A_214] : memref<1x1x2048xi32, #tpu.memory_space<vmem>>, vector<1x1x256xi32>
        %get3A_216 = vector.shape_cast %get3A_215 : vector<1x1x256xi32> to vector<256xi32>
        %broadcast_in_dim3A_217 = vector.shape_cast %get3A_216 : vector<256xi32> to vector<256x1xi32>
        %lt3A_218 = vector.broadcast %get3A_87 : i32 to vector<256x1xi32>
        %lt3A_219 = arith.cmpi slt, %add3A_211, %lt3A_218 : vector<256x1xi32>
        %gt3A_220 = arith.constant 0 : i32
        %gt3A_221 = vector.broadcast %gt3A_220 : i32 to vector<256x1xi32>
        %gt3A_222 = arith.cmpi sgt, %broadcast_in_dim3A_217, %gt3A_221 : vector<256x1xi32>
        %and3A_223 = arith.andi %lt3A_219, %gt3A_222 : vector<256x1xi1>
        %get3A_224 = arith.constant 0 : index
        %get3A_225 = arith.constant 768 : index
        %get3A_226 = arith.constant 0 : index
        %get3A_227 = vector.load %arg5[%get3A_224, %get3A_225, %get3A_226] : memref<2x2048x1024xf32, #tpu.memory_space<vmem>>, vector<1x256x1024xf32>
        %get3A_228 = vector.shape_cast %get3A_227 : vector<1x256x1024xf32> to vector<256x1024xf32>
        %broadcast_in_dim3A_229 = vector.shape_cast %and3A_223 : vector<256x1xi1> to vector<256x1xi1>
        %broadcast_in_dim3A_230 = vector.broadcast %broadcast_in_dim3A_229 : vector<256x1xi1> to vector<256x1024xi1>
        %select_n3A_231 = arith.select %broadcast_in_dim3A_230, %get3A_228, %broadcast_in_dim3A_88 : vector<256x1024xi1>, vector<256x1024xf32>
        %swap3A = arith.constant 0 : index
        %swap3A_232 = arith.constant 768 : index
        %swap3A_233 = arith.constant 0 : index
        %swap3A_234 = vector.load %arg4[%swap3A, %swap3A_232, %swap3A_233] : memref<1x2048x1024xf32, #tpu.memory_space<vmem>>, vector<1x256x1024xf32>
        %swap3A_235 = vector.shape_cast %swap3A_234 : vector<1x256x1024xf32> to vector<256x1024xf32>
        %swap3A_236 = vector.shape_cast %select_n3A_231 : vector<256x1024xf32> to vector<1x256x1024xf32>
        tpu.vector_store %arg4[%swap3A, %swap3A_232, %swap3A_233], %swap3A_236 {strides = array<i32>} : memref<1x2048x1024xf32, #tpu.memory_space<vmem>>, vector<1x256x1024xf32>,
      } else {
      }
      %le3A_164 = arith.constant 768 : i32
      %le3A_165 = arith.cmpi sle, %get3A_87, %le3A_164 : i32
      %convert_element_type3A_166 = arith.extui %le3A_165 : i1 to i32
      %cond3A_167 = arith.constant 0 : i32
      %cond3A_168 = arith.cmpi ne, %convert_element_type3A_166, %cond3A_167 : i32
      scf.if %cond3A_168 {
        %swap3A = arith.constant 0 : index
        %swap3A_209 = arith.constant 768 : index
        %swap3A_210 = arith.constant 0 : index
        %swap3A_211 = vector.load %arg4[%swap3A, %swap3A_209, %swap3A_210] : memref<1x2048x1024xf32, #tpu.memory_space<vmem>>, vector<1x256x1024xf32>
        %swap3A_212 = vector.shape_cast %swap3A_211 : vector<1x256x1024xf32> to vector<256x1024xf32>
        %swap3A_213 = vector.shape_cast %broadcast_in_dim3A_88 : vector<256x1024xf32> to vector<1x256x1024xf32>
        tpu.vector_store %arg4[%swap3A, %swap3A_209, %swap3A_210], %swap3A_213 {strides = array<i32>} : memref<1x2048x1024xf32, #tpu.memory_space<vmem>>, vector<1x256x1024xf32>,
      } else {
      }
      %gt3A_169 = arith.constant 1024 : i32
      %gt3A_170 = arith.cmpi sgt, %get3A_87, %gt3A_169 : i32
      %convert_element_type3A_171 = arith.extui %gt3A_170 : i1 to i32
      %cond3A_172 = arith.constant 0 : i32
      %cond3A_173 = arith.cmpi ne, %convert_element_type3A_171, %cond3A_172 : i32
      scf.if %cond3A_173 {
        %iota3A = tpu.iota {dimensions = array<i32: 0>} : vector<256x1xi32>
        %add3A_209 = arith.constant 1024 : i32
        %add3A_210 = vector.broadcast %add3A_209 : i32 to vector<256x1xi32>
        %add3A_211 = arith.addi %iota3A, %add3A_210 : vector<256x1xi32>
        %get3A_212 = arith.constant 0 : index
        %get3A_213 = arith.constant 0 : index
        %get3A_214 = arith.constant 1024 : index
        %get3A_215 = vector.load %arg2[%get3A_212, %get3A_213, %get3A_214] : memref<1x1x2048xi32, #tpu.memory_space<vmem>>, vector<1x1x256xi32>
        %get3A_216 = vector.shape_cast %get3A_215 : vector<1x1x256xi32> to vector<256xi32>
        %broadcast_in_dim3A_217 = vector.shape_cast %get3A_216 : vector<256xi32> to vector<256x1xi32>
        %lt3A_218 = vector.broadcast %get3A_87 : i32 to vector<256x1xi32>
        %lt3A_219 = arith.cmpi slt, %add3A_211, %lt3A_218 : vector<256x1xi32>
        %gt3A_220 = arith.constant 0 : i32
        %gt3A_221 = vector.broadcast %gt3A_220 : i32 to vector<256x1xi32>
        %gt3A_222 = arith.cmpi sgt, %broadcast_in_dim3A_217, %gt3A_221 : vector<256x1xi32>
        %and3A_223 = arith.andi %lt3A_219, %gt3A_222 : vector<256x1xi1>
        %get3A_224 = arith.constant 0 : index
        %get3A_225 = arith.constant 1024 : index
        %get3A_226 = arith.constant 0 : index
        %get3A_227 = vector.load %arg5[%get3A_224, %get3A_225, %get3A_226] : memref<2x2048x1024xf32, #tpu.memory_space<vmem>>, vector<1x256x1024xf32>
        %get3A_228 = vector.shape_cast %get3A_227 : vector<1x256x1024xf32> to vector<256x1024xf32>
        %broadcast_in_dim3A_229 = vector.shape_cast %and3A_223 : vector<256x1xi1> to vector<256x1xi1>
        %broadcast_in_dim3A_230 = vector.broadcast %broadcast_in_dim3A_229 : vector<256x1xi1> to vector<256x1024xi1>
        %select_n3A_231 = arith.select %broadcast_in_dim3A_230, %get3A_228, %broadcast_in_dim3A_88 : vector<256x1024xi1>, vector<256x1024xf32>
        %swap3A = arith.constant 0 : index
        %swap3A_232 = arith.constant 1024 : index
        %swap3A_233 = arith.constant 0 : index
        %swap3A_234 = vector.load %arg4[%swap3A, %swap3A_232, %swap3A_233] : memref<1x2048x1024xf32, #tpu.memory_space<vmem>>, vector<1x256x1024xf32>
        %swap3A_235 = vector.shape_cast %swap3A_234 : vector<1x256x1024xf32> to vector<256x1024xf32>
        %swap3A_236 = vector.shape_cast %select_n3A_231 : vector<256x1024xf32> to vector<1x256x1024xf32>
        tpu.vector_store %arg4[%swap3A, %swap3A_232, %swap3A_233], %swap3A_236 {strides = array<i32>} : memref<1x2048x1024xf32, #tpu.memory_space<vmem>>, vector<1x256x1024xf32>,
      } else {
      }
      %le3A_174 = arith.constant 1024 : i32
      %le3A_175 = arith.cmpi sle, %get3A_87, %le3A_174 : i32
      %convert_element_type3A_176 = arith.extui %le3A_175 : i1 to i32
      %cond3A_177 = arith.constant 0 : i32
      %cond3A_178 = arith.cmpi ne, %convert_element_type3A_176, %cond3A_177 : i32
      scf.if %cond3A_178 {
        %swap3A = arith.constant 0 : index
        %swap3A_209 = arith.constant 1024 : index
        %swap3A_210 = arith.constant 0 : index
        %swap3A_211 = vector.load %arg4[%swap3A, %swap3A_209, %swap3A_210] : memref<1x2048x1024xf32, #tpu.memory_space<vmem>>, vector<1x256x1024xf32>
        %swap3A_212 = vector.shape_cast %swap3A_211 : vector<1x256x1024xf32> to vector<256x1024xf32>
        %swap3A_213 = vector.shape_cast %broadcast_in_dim3A_88 : vector<256x1024xf32> to vector<1x256x1024xf32>
        tpu.vector_store %arg4[%swap3A, %swap3A_209, %swap3A_210], %swap3A_213 {strides = array<i32>} : memref<1x2048x1024xf32, #tpu.memory_space<vmem>>, vector<1x256x1024xf32>,
      } else {
      }
      %gt3A_179 = arith.constant 1280 : i32
      %gt3A_180 = arith.cmpi sgt, %get3A_87, %gt3A_179 : i32
      %convert_element_type3A_181 = arith.extui %gt3A_180 : i1 to i32
      %cond3A_182 = arith.constant 0 : i32
      %cond3A_183 = arith.cmpi ne, %convert_element_type3A_181, %cond3A_182 : i32
      scf.if %cond3A_183 {
        %iota3A = tpu.iota {dimensions = array<i32: 0>} : vector<256x1xi32>
        %add3A_209 = arith.constant 1280 : i32
        %add3A_210 = vector.broadcast %add3A_209 : i32 to vector<256x1xi32>
        %add3A_211 = arith.addi %iota3A, %add3A_210 : vector<256x1xi32>
        %get3A_212 = arith.constant 0 : index
        %get3A_213 = arith.constant 0 : index
        %get3A_214 = arith.constant 1280 : index
        %get3A_215 = vector.load %arg2[%get3A_212, %get3A_213, %get3A_214] : memref<1x1x2048xi32, #tpu.memory_space<vmem>>, vector<1x1x256xi32>
        %get3A_216 = vector.shape_cast %get3A_215 : vector<1x1x256xi32> to vector<256xi32>
        %broadcast_in_dim3A_217 = vector.shape_cast %get3A_216 : vector<256xi32> to vector<256x1xi32>
        %lt3A_218 = vector.broadcast %get3A_87 : i32 to vector<256x1xi32>
        %lt3A_219 = arith.cmpi slt, %add3A_211, %lt3A_218 : vector<256x1xi32>
        %gt3A_220 = arith.constant 0 : i32
        %gt3A_221 = vector.broadcast %gt3A_220 : i32 to vector<256x1xi32>
        %gt3A_222 = arith.cmpi sgt, %broadcast_in_dim3A_217, %gt3A_221 : vector<256x1xi32>
        %and3A_223 = arith.andi %lt3A_219, %gt3A_222 : vector<256x1xi1>
        %get3A_224 = arith.constant 0 : index
        %get3A_225 = arith.constant 1280 : index
        %get3A_226 = arith.constant 0 : index
        %get3A_227 = vector.load %arg5[%get3A_224, %get3A_225, %get3A_226] : memref<2x2048x1024xf32, #tpu.memory_space<vmem>>, vector<1x256x1024xf32>
        %get3A_228 = vector.shape_cast %get3A_227 : vector<1x256x1024xf32> to vector<256x1024xf32>
        %broadcast_in_dim3A_229 = vector.shape_cast %and3A_223 : vector<256x1xi1> to vector<256x1xi1>
        %broadcast_in_dim3A_230 = vector.broadcast %broadcast_in_dim3A_229 : vector<256x1xi1> to vector<256x1024xi1>
        %select_n3A_231 = arith.select %broadcast_in_dim3A_230, %get3A_228, %broadcast_in_dim3A_88 : vector<256x1024xi1>, vector<256x1024xf32>
        %swap3A = arith.constant 0 : index
        %swap3A_232 = arith.constant 1280 : index
        %swap3A_233 = arith.constant 0 : index
        %swap3A_234 = vector.load %arg4[%swap3A, %swap3A_232, %swap3A_233] : memref<1x2048x1024xf32, #tpu.memory_space<vmem>>, vector<1x256x1024xf32>
        %swap3A_235 = vector.shape_cast %swap3A_234 : vector<1x256x1024xf32> to vector<256x1024xf32>
        %swap3A_236 = vector.shape_cast %select_n3A_231 : vector<256x1024xf32> to vector<1x256x1024xf32>
        tpu.vector_store %arg4[%swap3A, %swap3A_232, %swap3A_233], %swap3A_236 {strides = array<i32>} : memref<1x2048x1024xf32, #tpu.memory_space<vmem>>, vector<1x256x1024xf32>,
      } else {
      }
      %le3A_184 = arith.constant 1280 : i32
      %le3A_185 = arith.cmpi sle, %get3A_87, %le3A_184 : i32
      %convert_element_type3A_186 = arith.extui %le3A_185 : i1 to i32
      %cond3A_187 = arith.constant 0 : i32
      %cond3A_188 = arith.cmpi ne, %convert_element_type3A_186, %cond3A_187 : i32
      scf.if %cond3A_188 {
        %swap3A = arith.constant 0 : index
        %swap3A_209 = arith.constant 1280 : index
        %swap3A_210 = arith.constant 0 : index
        %swap3A_211 = vector.load %arg4[%swap3A, %swap3A_209, %swap3A_210] : memref<1x2048x1024xf32, #tpu.memory_space<vmem>>, vector<1x256x1024xf32>
        %swap3A_212 = vector.shape_cast %swap3A_211 : vector<1x256x1024xf32> to vector<256x1024xf32>
        %swap3A_213 = vector.shape_cast %broadcast_in_dim3A_88 : vector<256x1024xf32> to vector<1x256x1024xf32>
        tpu.vector_store %arg4[%swap3A, %swap3A_209, %swap3A_210], %swap3A_213 {strides = array<i32>} : memref<1x2048x1024xf32, #tpu.memory_space<vmem>>, vector<1x256x1024xf32>,
      } else {
      }
      %gt3A_189 = arith.constant 1536 : i32
      %gt3A_190 = arith.cmpi sgt, %get3A_87, %gt3A_189 : i32
      %convert_element_type3A_191 = arith.extui %gt3A_190 : i1 to i32
      %cond3A_192 = arith.constant 0 : i32
      %cond3A_193 = arith.cmpi ne, %convert_element_type3A_191, %cond3A_192 : i32
      scf.if %cond3A_193 {
        %iota3A = tpu.iota {dimensions = array<i32: 0>} : vector<256x1xi32>
        %add3A_209 = arith.constant 1536 : i32
        %add3A_210 = vector.broadcast %add3A_209 : i32 to vector<256x1xi32>
        %add3A_211 = arith.addi %iota3A, %add3A_210 : vector<256x1xi32>
        %get3A_212 = arith.constant 0 : index
        %get3A_213 = arith.constant 0 : index
        %get3A_214 = arith.constant 1536 : index
        %get3A_215 = vector.load %arg2[%get3A_212, %get3A_213, %get3A_214] : memref<1x1x2048xi32, #tpu.memory_space<vmem>>, vector<1x1x256xi32>
        %get3A_216 = vector.shape_cast %get3A_215 : vector<1x1x256xi32> to vector<256xi32>
        %broadcast_in_dim3A_217 = vector.shape_cast %get3A_216 : vector<256xi32> to vector<256x1xi32>
        %lt3A_218 = vector.broadcast %get3A_87 : i32 to vector<256x1xi32>
        %lt3A_219 = arith.cmpi slt, %add3A_211, %lt3A_218 : vector<256x1xi32>
        %gt3A_220 = arith.constant 0 : i32
        %gt3A_221 = vector.broadcast %gt3A_220 : i32 to vector<256x1xi32>
        %gt3A_222 = arith.cmpi sgt, %broadcast_in_dim3A_217, %gt3A_221 : vector<256x1xi32>
        %and3A_223 = arith.andi %lt3A_219, %gt3A_222 : vector<256x1xi1>
        %get3A_224 = arith.constant 0 : index
        %get3A_225 = arith.constant 1536 : index
        %get3A_226 = arith.constant 0 : index
        %get3A_227 = vector.load %arg5[%get3A_224, %get3A_225, %get3A_226] : memref<2x2048x1024xf32, #tpu.memory_space<vmem>>, vector<1x256x1024xf32>
        %get3A_228 = vector.shape_cast %get3A_227 : vector<1x256x1024xf32> to vector<256x1024xf32>
        %broadcast_in_dim3A_229 = vector.shape_cast %and3A_223 : vector<256x1xi1> to vector<256x1xi1>
        %broadcast_in_dim3A_230 = vector.broadcast %broadcast_in_dim3A_229 : vector<256x1xi1> to vector<256x1024xi1>
        %select_n3A_231 = arith.select %broadcast_in_dim3A_230, %get3A_228, %broadcast_in_dim3A_88 : vector<256x1024xi1>, vector<256x1024xf32>
        %swap3A = arith.constant 0 : index
        %swap3A_232 = arith.constant 1536 : index
        %swap3A_233 = arith.constant 0 : index
        %swap3A_234 = vector.load %arg4[%swap3A, %swap3A_232, %swap3A_233] : memref<1x2048x1024xf32, #tpu.memory_space<vmem>>, vector<1x256x1024xf32>
        %swap3A_235 = vector.shape_cast %swap3A_234 : vector<1x256x1024xf32> to vector<256x1024xf32>
        %swap3A_236 = vector.shape_cast %select_n3A_231 : vector<256x1024xf32> to vector<1x256x1024xf32>
        tpu.vector_store %arg4[%swap3A, %swap3A_232, %swap3A_233], %swap3A_236 {strides = array<i32>} : memref<1x2048x1024xf32, #tpu.memory_space<vmem>>, vector<1x256x1024xf32>,
      } else {
      }
      %le3A_194 = arith.constant 1536 : i32
      %le3A_195 = arith.cmpi sle, %get3A_87, %le3A_194 : i32
      %convert_element_type3A_196 = arith.extui %le3A_195 : i1 to i32
      %cond3A_197 = arith.constant 0 : i32
      %cond3A_198 = arith.cmpi ne, %convert_element_type3A_196, %cond3A_197 : i32
      scf.if %cond3A_198 {
        %swap3A = arith.constant 0 : index
        %swap3A_209 = arith.constant 1536 : index
        %swap3A_210 = arith.constant 0 : index
        %swap3A_211 = vector.load %arg4[%swap3A, %swap3A_209, %swap3A_210] : memref<1x2048x1024xf32, #tpu.memory_space<vmem>>, vector<1x256x1024xf32>
        %swap3A_212 = vector.shape_cast %swap3A_211 : vector<1x256x1024xf32> to vector<256x1024xf32>
        %swap3A_213 = vector.shape_cast %broadcast_in_dim3A_88 : vector<256x1024xf32> to vector<1x256x1024xf32>
        tpu.vector_store %arg4[%swap3A, %swap3A_209, %swap3A_210], %swap3A_213 {strides = array<i32>} : memref<1x2048x1024xf32, #tpu.memory_space<vmem>>, vector<1x256x1024xf32>,
      } else {
      }
      %gt3A_199 = arith.constant 1792 : i32
      %gt3A_200 = arith.cmpi sgt, %get3A_87, %gt3A_199 : i32
      %convert_element_type3A_201 = arith.extui %gt3A_200 : i1 to i32
      %cond3A_202 = arith.constant 0 : i32
      %cond3A_203 = arith.cmpi ne, %convert_element_type3A_201, %cond3A_202 : i32
      scf.if %cond3A_203 {
        %iota3A = tpu.iota {dimensions = array<i32: 0>} : vector<256x1xi32>
        %add3A_209 = arith.constant 1792 : i32
        %add3A_210 = vector.broadcast %add3A_209 : i32 to vector<256x1xi32>
        %add3A_211 = arith.addi %iota3A, %add3A_210 : vector<256x1xi32>
        %get3A_212 = arith.constant 0 : index
        %get3A_213 = arith.constant 0 : index
        %get3A_214 = arith.constant 1792 : index
        %get3A_215 = vector.load %arg2[%get3A_212, %get3A_213, %get3A_214] : memref<1x1x2048xi32, #tpu.memory_space<vmem>>, vector<1x1x256xi32>
        %get3A_216 = vector.shape_cast %get3A_215 : vector<1x1x256xi32> to vector<256xi32>
        %broadcast_in_dim3A_217 = vector.shape_cast %get3A_216 : vector<256xi32> to vector<256x1xi32>
        %lt3A_218 = vector.broadcast %get3A_87 : i32 to vector<256x1xi32>
        %lt3A_219 = arith.cmpi slt, %add3A_211, %lt3A_218 : vector<256x1xi32>
        %gt3A_220 = arith.constant 0 : i32
        %gt3A_221 = vector.broadcast %gt3A_220 : i32 to vector<256x1xi32>
        %gt3A_222 = arith.cmpi sgt, %broadcast_in_dim3A_217, %gt3A_221 : vector<256x1xi32>
        %and3A_223 = arith.andi %lt3A_219, %gt3A_222 : vector<256x1xi1>
        %get3A_224 = arith.constant 0 : index
        %get3A_225 = arith.constant 1792 : index
        %get3A_226 = arith.constant 0 : index
        %get3A_227 = vector.load %arg5[%get3A_224, %get3A_225, %get3A_226] : memref<2x2048x1024xf32, #tpu.memory_space<vmem>>, vector<1x256x1024xf32>
        %get3A_228 = vector.shape_cast %get3A_227 : vector<1x256x1024xf32> to vector<256x1024xf32>
        %broadcast_in_dim3A_229 = vector.shape_cast %and3A_223 : vector<256x1xi1> to vector<256x1xi1>
        %broadcast_in_dim3A_230 = vector.broadcast %broadcast_in_dim3A_229 : vector<256x1xi1> to vector<256x1024xi1>
        %select_n3A_231 = arith.select %broadcast_in_dim3A_230, %get3A_228, %broadcast_in_dim3A_88 : vector<256x1024xi1>, vector<256x1024xf32>
        %swap3A = arith.constant 0 : index
        %swap3A_232 = arith.constant 1792 : index
        %swap3A_233 = arith.constant 0 : index
        %swap3A_234 = vector.load %arg4[%swap3A, %swap3A_232, %swap3A_233] : memref<1x2048x1024xf32, #tpu.memory_space<vmem>>, vector<1x256x1024xf32>
        %swap3A_235 = vector.shape_cast %swap3A_234 : vector<1x256x1024xf32> to vector<256x1024xf32>
        %swap3A_236 = vector.shape_cast %select_n3A_231 : vector<256x1024xf32> to vector<1x256x1024xf32>
        tpu.vector_store %arg4[%swap3A, %swap3A_232, %swap3A_233], %swap3A_236 {strides = array<i32>} : memref<1x2048x1024xf32, #tpu.memory_space<vmem>>, vector<1x256x1024xf32>,
      } else {
      }
      %le3A_204 = arith.constant 1792 : i32
      %le3A_205 = arith.cmpi sle, %get3A_87, %le3A_204 : i32
      %convert_element_type3A_206 = arith.extui %le3A_205 : i1 to i32
      %cond3A_207 = arith.constant 0 : i32
      %cond3A_208 = arith.cmpi ne, %convert_element_type3A_206, %cond3A_207 : i32
      scf.if %cond3A_208 {
        %swap3A = arith.constant 0 : index
        %swap3A_209 = arith.constant 1792 : index
        %swap3A_210 = arith.constant 0 : index
        %swap3A_211 = vector.load %arg4[%swap3A, %swap3A_209, %swap3A_210] : memref<1x2048x1024xf32, #tpu.memory_space<vmem>>, vector<1x256x1024xf32>
        %swap3A_212 = vector.shape_cast %swap3A_211 : vector<1x256x1024xf32> to vector<256x1024xf32>
        %swap3A_213 = vector.shape_cast %broadcast_in_dim3A_88 : vector<256x1024xf32> to vector<1x256x1024xf32>
        tpu.vector_store %arg4[%swap3A, %swap3A_209, %swap3A_210], %swap3A_213 {strides = array<i32>} : memref<1x2048x1024xf32, #tpu.memory_space<vmem>>, vector<1x256x1024xf32>,
      } else {
      }
    } else {
    }
    %jit3A_110 = arith.constant 2 : i32
    %eq3A_111 = arith.constant 0 : i32
    %eq3A_112 = arith.cmpi eq, %jit3A_110, %eq3A_111 : i32
    %jit3A_113 = arith.constant 1 : i32
    %select_n3A_114 = arith.select %eq3A_112, %jit3A_113, %jit3A_110 : i32
    %rem3A_115 = arith.remsi %arg0, %select_n3A_114 : i32
    %ne3A_116 = arith.constant 0 : i32
    %ne3A_117 = arith.cmpi ne, %rem3A_115, %ne3A_116 : i32
    %lt3A_118 = arith.constant 0 : i32
    %lt3A_119 = arith.cmpi slt, %rem3A_115, %lt3A_118 : i32
    %lt3A_120 = arith.constant 0 : i32
    %lt3A_121 = arith.cmpi slt, %select_n3A_114, %lt3A_120 : i32
    %ne3A_122 = arith.xori %lt3A_119, %lt3A_121 : i1
    %and3A_123 = arith.andi %ne3A_122, %ne3A_117 : i1
    %add3A_124 = arith.addi %rem3A_115, %select_n3A_114 : i32
    %select_n3A_125 = arith.select %and3A_123, %add3A_124, %rem3A_115 : i32
    %eq3A_126 = arith.constant 1 : i32
    %eq3A_127 = arith.cmpi eq, %select_n3A_125, %eq3A_126 : i32
    %convert_element_type3A_128 = arith.extui %eq3A_127 : i1 to i32
    %cond3A_129 = arith.constant 0 : i32
    %cond3A_130 = arith.cmpi ne, %convert_element_type3A_128, %cond3A_129 : i32
    scf.if %cond3A_130 {
      %gt3A = arith.constant 0 : i32
      %gt3A_131 = arith.cmpi sgt, %get3A_87, %gt3A : i32
      %convert_element_type3A_132 = arith.extui %gt3A_131 : i1 to i32
      %cond3A_133 = arith.constant 0 : i32
      %cond3A_134 = arith.cmpi ne, %convert_element_type3A_132, %cond3A_133 : i32
      scf.if %cond3A_134 {
        %iota3A = tpu.iota {dimensions = array<i32: 0>} : vector<256x1xi32>
        %add3A_209 = arith.constant 0 : i32
        %add3A_210 = vector.broadcast %add3A_209 : i32 to vector<256x1xi32>
        %add3A_211 = arith.addi %iota3A, %add3A_210 : vector<256x1xi32>
        %get3A_212 = arith.constant 0 : index
        %get3A_213 = arith.constant 0 : index
        %get3A_214 = arith.constant 0 : index
        %get3A_215 = vector.load %arg2[%get3A_212, %get3A_213, %get3A_214] : memref<1x1x2048xi32, #tpu.memory_space<vmem>>, vector<1x1x256xi32>
        %get3A_216 = vector.shape_cast %get3A_215 : vector<1x1x256xi32> to vector<256xi32>
        %broadcast_in_dim3A_217 = vector.shape_cast %get3A_216 : vector<256xi32> to vector<256x1xi32>
        %lt3A_218 = vector.broadcast %get3A_87 : i32 to vector<256x1xi32>
        %lt3A_219 = arith.cmpi slt, %add3A_211, %lt3A_218 : vector<256x1xi32>
        %gt3A_220 = arith.constant 0 : i32
        %gt3A_221 = vector.broadcast %gt3A_220 : i32 to vector<256x1xi32>
        %gt3A_222 = arith.cmpi sgt, %broadcast_in_dim3A_217, %gt3A_221 : vector<256x1xi32>
        %and3A_223 = arith.andi %lt3A_219, %gt3A_222 : vector<256x1xi1>
        %get3A_224 = arith.constant 1 : index
        %get3A_225 = arith.constant 0 : index
        %get3A_226 = arith.constant 0 : index
        %get3A_227 = vector.load %arg5[%get3A_224, %get3A_225, %get3A_226] : memref<2x2048x1024xf32, #tpu.memory_space<vmem>>, vector<1x256x1024xf32>
        %get3A_228 = vector.shape_cast %get3A_227 : vector<1x256x1024xf32> to vector<256x1024xf32>
        %broadcast_in_dim3A_229 = vector.shape_cast %and3A_223 : vector<256x1xi1> to vector<256x1xi1>
        %broadcast_in_dim3A_230 = vector.broadcast %broadcast_in_dim3A_229 : vector<256x1xi1> to vector<256x1024xi1>
        %select_n3A_231 = arith.select %broadcast_in_dim3A_230, %get3A_228, %broadcast_in_dim3A_88 : vector<256x1024xi1>, vector<256x1024xf32>
        %swap3A = arith.constant 0 : index
        %swap3A_232 = arith.constant 0 : index
        %swap3A_233 = arith.constant 0 : index
        %swap3A_234 = vector.load %arg4[%swap3A, %swap3A_232, %swap3A_233] : memref<1x2048x1024xf32, #tpu.memory_space<vmem>>, vector<1x256x1024xf32>
        %swap3A_235 = vector.shape_cast %swap3A_234 : vector<1x256x1024xf32> to vector<256x1024xf32>
        %swap3A_236 = vector.shape_cast %select_n3A_231 : vector<256x1024xf32> to vector<1x256x1024xf32>
        tpu.vector_store %arg4[%swap3A, %swap3A_232, %swap3A_233], %swap3A_236 {strides = array<i32>} : memref<1x2048x1024xf32, #tpu.memory_space<vmem>>, vector<1x256x1024xf32>,
      } else {
      }
      %le3A = arith.constant 0 : i32
      %le3A_135 = arith.cmpi sle, %get3A_87, %le3A : i32
      %convert_element_type3A_136 = arith.extui %le3A_135 : i1 to i32
      %cond3A_137 = arith.constant 0 : i32
      %cond3A_138 = arith.cmpi ne, %convert_element_type3A_136, %cond3A_137 : i32
      scf.if %cond3A_138 {
        %swap3A = arith.constant 0 : index
        %swap3A_209 = arith.constant 0 : index
        %swap3A_210 = arith.constant 0 : index
        %swap3A_211 = vector.load %arg4[%swap3A, %swap3A_209, %swap3A_210] : memref<1x2048x1024xf32, #tpu.memory_space<vmem>>, vector<1x256x1024xf32>
        %swap3A_212 = vector.shape_cast %swap3A_211 : vector<1x256x1024xf32> to vector<256x1024xf32>
        %swap3A_213 = vector.shape_cast %broadcast_in_dim3A_88 : vector<256x1024xf32> to vector<1x256x1024xf32>
        tpu.vector_store %arg4[%swap3A, %swap3A_209, %swap3A_210], %swap3A_213 {strides = array<i32>} : memref<1x2048x1024xf32, #tpu.memory_space<vmem>>, vector<1x256x1024xf32>,
      } else {
      }
      %gt3A_139 = arith.constant 256 : i32
      %gt3A_140 = arith.cmpi sgt, %get3A_87, %gt3A_139 : i32
      %convert_element_type3A_141 = arith.extui %gt3A_140 : i1 to i32
      %cond3A_142 = arith.constant 0 : i32
      %cond3A_143 = arith.cmpi ne, %convert_element_type3A_141, %cond3A_142 : i32
      scf.if %cond3A_143 {
        %iota3A = tpu.iota {dimensions = array<i32: 0>} : vector<256x1xi32>
        %add3A_209 = arith.constant 256 : i32
        %add3A_210 = vector.broadcast %add3A_209 : i32 to vector<256x1xi32>
        %add3A_211 = arith.addi %iota3A, %add3A_210 : vector<256x1xi32>
        %get3A_212 = arith.constant 0 : index
        %get3A_213 = arith.constant 0 : index
        %get3A_214 = arith.constant 256 : index
        %get3A_215 = vector.load %arg2[%get3A_212, %get3A_213, %get3A_214] : memref<1x1x2048xi32, #tpu.memory_space<vmem>>, vector<1x1x256xi32>
        %get3A_216 = vector.shape_cast %get3A_215 : vector<1x1x256xi32> to vector<256xi32>
        %broadcast_in_dim3A_217 = vector.shape_cast %get3A_216 : vector<256xi32> to vector<256x1xi32>
        %lt3A_218 = vector.broadcast %get3A_87 : i32 to vector<256x1xi32>
        %lt3A_219 = arith.cmpi slt, %add3A_211, %lt3A_218 : vector<256x1xi32>
        %gt3A_220 = arith.constant 0 : i32
        %gt3A_221 = vector.broadcast %gt3A_220 : i32 to vector<256x1xi32>
        %gt3A_222 = arith.cmpi sgt, %broadcast_in_dim3A_217, %gt3A_221 : vector<256x1xi32>
        %and3A_223 = arith.andi %lt3A_219, %gt3A_222 : vector<256x1xi1>
        %get3A_224 = arith.constant 1 : index
        %get3A_225 = arith.constant 256 : index
        %get3A_226 = arith.constant 0 : index
        %get3A_227 = vector.load %arg5[%get3A_224, %get3A_225, %get3A_226] : memref<2x2048x1024xf32, #tpu.memory_space<vmem>>, vector<1x256x1024xf32>
        %get3A_228 = vector.shape_cast %get3A_227 : vector<1x256x1024xf32> to vector<256x1024xf32>
        %broadcast_in_dim3A_229 = vector.shape_cast %and3A_223 : vector<256x1xi1> to vector<256x1xi1>
        %broadcast_in_dim3A_230 = vector.broadcast %broadcast_in_dim3A_229 : vector<256x1xi1> to vector<256x1024xi1>
        %select_n3A_231 = arith.select %broadcast_in_dim3A_230, %get3A_228, %broadcast_in_dim3A_88 : vector<256x1024xi1>, vector<256x1024xf32>
        %swap3A = arith.constant 0 : index
        %swap3A_232 = arith.constant 256 : index
        %swap3A_233 = arith.constant 0 : index
        %swap3A_234 = vector.load %arg4[%swap3A, %swap3A_232, %swap3A_233] : memref<1x2048x1024xf32, #tpu.memory_space<vmem>>, vector<1x256x1024xf32>
        %swap3A_235 = vector.shape_cast %swap3A_234 : vector<1x256x1024xf32> to vector<256x1024xf32>
        %swap3A_236 = vector.shape_cast %select_n3A_231 : vector<256x1024xf32> to vector<1x256x1024xf32>
        tpu.vector_store %arg4[%swap3A, %swap3A_232, %swap3A_233], %swap3A_236 {strides = array<i32>} : memref<1x2048x1024xf32, #tpu.memory_space<vmem>>, vector<1x256x1024xf32>,
      } else {
      }
      %le3A_144 = arith.constant 256 : i32
      %le3A_145 = arith.cmpi sle, %get3A_87, %le3A_144 : i32
      %convert_element_type3A_146 = arith.extui %le3A_145 : i1 to i32
      %cond3A_147 = arith.constant 0 : i32
      %cond3A_148 = arith.cmpi ne, %convert_element_type3A_146, %cond3A_147 : i32
      scf.if %cond3A_148 {
        %swap3A = arith.constant 0 : index
        %swap3A_209 = arith.constant 256 : index
        %swap3A_210 = arith.constant 0 : index
        %swap3A_211 = vector.load %arg4[%swap3A, %swap3A_209, %swap3A_210] : memref<1x2048x1024xf32, #tpu.memory_space<vmem>>, vector<1x256x1024xf32>
        %swap3A_212 = vector.shape_cast %swap3A_211 : vector<1x256x1024xf32> to vector<256x1024xf32>
        %swap3A_213 = vector.shape_cast %broadcast_in_dim3A_88 : vector<256x1024xf32> to vector<1x256x1024xf32>
        tpu.vector_store %arg4[%swap3A, %swap3A_209, %swap3A_210], %swap3A_213 {strides = array<i32>} : memref<1x2048x1024xf32, #tpu.memory_space<vmem>>, vector<1x256x1024xf32>,
      } else {
      }
      %gt3A_149 = arith.constant 512 : i32
      %gt3A_150 = arith.cmpi sgt, %get3A_87, %gt3A_149 : i32
      %convert_element_type3A_151 = arith.extui %gt3A_150 : i1 to i32
      %cond3A_152 = arith.constant 0 : i32
      %cond3A_153 = arith.cmpi ne, %convert_element_type3A_151, %cond3A_152 : i32
      scf.if %cond3A_153 {
        %iota3A = tpu.iota {dimensions = array<i32: 0>} : vector<256x1xi32>
        %add3A_209 = arith.constant 512 : i32
        %add3A_210 = vector.broadcast %add3A_209 : i32 to vector<256x1xi32>
        %add3A_211 = arith.addi %iota3A, %add3A_210 : vector<256x1xi32>
        %get3A_212 = arith.constant 0 : index
        %get3A_213 = arith.constant 0 : index
        %get3A_214 = arith.constant 512 : index
        %get3A_215 = vector.load %arg2[%get3A_212, %get3A_213, %get3A_214] : memref<1x1x2048xi32, #tpu.memory_space<vmem>>, vector<1x1x256xi32>
        %get3A_216 = vector.shape_cast %get3A_215 : vector<1x1x256xi32> to vector<256xi32>
        %broadcast_in_dim3A_217 = vector.shape_cast %get3A_216 : vector<256xi32> to vector<256x1xi32>
        %lt3A_218 = vector.broadcast %get3A_87 : i32 to vector<256x1xi32>
        %lt3A_219 = arith.cmpi slt, %add3A_211, %lt3A_218 : vector<256x1xi32>
        %gt3A_220 = arith.constant 0 : i32
        %gt3A_221 = vector.broadcast %gt3A_220 : i32 to vector<256x1xi32>
        %gt3A_222 = arith.cmpi sgt, %broadcast_in_dim3A_217, %gt3A_221 : vector<256x1xi32>
        %and3A_223 = arith.andi %lt3A_219, %gt3A_222 : vector<256x1xi1>
        %get3A_224 = arith.constant 1 : index
        %get3A_225 = arith.constant 512 : index
        %get3A_226 = arith.constant 0 : index
        %get3A_227 = vector.load %arg5[%get3A_224, %get3A_225, %get3A_226] : memref<2x2048x1024xf32, #tpu.memory_space<vmem>>, vector<1x256x1024xf32>
        %get3A_228 = vector.shape_cast %get3A_227 : vector<1x256x1024xf32> to vector<256x1024xf32>
        %broadcast_in_dim3A_229 = vector.shape_cast %and3A_223 : vector<256x1xi1> to vector<256x1xi1>
        %broadcast_in_dim3A_230 = vector.broadcast %broadcast_in_dim3A_229 : vector<256x1xi1> to vector<256x1024xi1>
        %select_n3A_231 = arith.select %broadcast_in_dim3A_230, %get3A_228, %broadcast_in_dim3A_88 : vector<256x1024xi1>, vector<256x1024xf32>
        %swap3A = arith.constant 0 : index
        %swap3A_232 = arith.constant 512 : index
        %swap3A_233 = arith.constant 0 : index
        %swap3A_234 = vector.load %arg4[%swap3A, %swap3A_232, %swap3A_233] : memref<1x2048x1024xf32, #tpu.memory_space<vmem>>, vector<1x256x1024xf32>
        %swap3A_235 = vector.shape_cast %swap3A_234 : vector<1x256x1024xf32> to vector<256x1024xf32>
        %swap3A_236 = vector.shape_cast %select_n3A_231 : vector<256x1024xf32> to vector<1x256x1024xf32>
        tpu.vector_store %arg4[%swap3A, %swap3A_232, %swap3A_233], %swap3A_236 {strides = array<i32>} : memref<1x2048x1024xf32, #tpu.memory_space<vmem>>, vector<1x256x1024xf32>,
      } else {
      }
      %le3A_154 = arith.constant 512 : i32
      %le3A_155 = arith.cmpi sle, %get3A_87, %le3A_154 : i32
      %convert_element_type3A_156 = arith.extui %le3A_155 : i1 to i32
      %cond3A_157 = arith.constant 0 : i32
      %cond3A_158 = arith.cmpi ne, %convert_element_type3A_156, %cond3A_157 : i32
      scf.if %cond3A_158 {
        %swap3A = arith.constant 0 : index
        %swap3A_209 = arith.constant 512 : index
        %swap3A_210 = arith.constant 0 : index
        %swap3A_211 = vector.load %arg4[%swap3A, %swap3A_209, %swap3A_210] : memref<1x2048x1024xf32, #tpu.memory_space<vmem>>, vector<1x256x1024xf32>
        %swap3A_212 = vector.shape_cast %swap3A_211 : vector<1x256x1024xf32> to vector<256x1024xf32>
        %swap3A_213 = vector.shape_cast %broadcast_in_dim3A_88 : vector<256x1024xf32> to vector<1x256x1024xf32>
        tpu.vector_store %arg4[%swap3A, %swap3A_209, %swap3A_210], %swap3A_213 {strides = array<i32>} : memref<1x2048x1024xf32, #tpu.memory_space<vmem>>, vector<1x256x1024xf32>,
      } else {
      }
      %gt3A_159 = arith.constant 768 : i32
      %gt3A_160 = arith.cmpi sgt, %get3A_87, %gt3A_159 : i32
      %convert_element_type3A_161 = arith.extui %gt3A_160 : i1 to i32
      %cond3A_162 = arith.constant 0 : i32
      %cond3A_163 = arith.cmpi ne, %convert_element_type3A_161, %cond3A_162 : i32
      scf.if %cond3A_163 {
        %iota3A = tpu.iota {dimensions = array<i32: 0>} : vector<256x1xi32>
        %add3A_209 = arith.constant 768 : i32
        %add3A_210 = vector.broadcast %add3A_209 : i32 to vector<256x1xi32>
        %add3A_211 = arith.addi %iota3A, %add3A_210 : vector<256x1xi32>
        %get3A_212 = arith.constant 0 : index
        %get3A_213 = arith.constant 0 : index
        %get3A_214 = arith.constant 768 : index
        %get3A_215 = vector.load %arg2[%get3A_212, %get3A_213, %get3A_214] : memref<1x1x2048xi32, #tpu.memory_space<vmem>>, vector<1x1x256xi32>
        %get3A_216 = vector.shape_cast %get3A_215 : vector<1x1x256xi32> to vector<256xi32>
        %broadcast_in_dim3A_217 = vector.shape_cast %get3A_216 : vector<256xi32> to vector<256x1xi32>
        %lt3A_218 = vector.broadcast %get3A_87 : i32 to vector<256x1xi32>
        %lt3A_219 = arith.cmpi slt, %add3A_211, %lt3A_218 : vector<256x1xi32>
        %gt3A_220 = arith.constant 0 : i32
        %gt3A_221 = vector.broadcast %gt3A_220 : i32 to vector<256x1xi32>
        %gt3A_222 = arith.cmpi sgt, %broadcast_in_dim3A_217, %gt3A_221 : vector<256x1xi32>
        %and3A_223 = arith.andi %lt3A_219, %gt3A_222 : vector<256x1xi1>
        %get3A_224 = arith.constant 1 : index
        %get3A_225 = arith.constant 768 : index
        %get3A_226 = arith.constant 0 : index
        %get3A_227 = vector.load %arg5[%get3A_224, %get3A_225, %get3A_226] : memref<2x2048x1024xf32, #tpu.memory_space<vmem>>, vector<1x256x1024xf32>
        %get3A_228 = vector.shape_cast %get3A_227 : vector<1x256x1024xf32> to vector<256x1024xf32>
        %broadcast_in_dim3A_229 = vector.shape_cast %and3A_223 : vector<256x1xi1> to vector<256x1xi1>
        %broadcast_in_dim3A_230 = vector.broadcast %broadcast_in_dim3A_229 : vector<256x1xi1> to vector<256x1024xi1>
        %select_n3A_231 = arith.select %broadcast_in_dim3A_230, %get3A_228, %broadcast_in_dim3A_88 : vector<256x1024xi1>, vector<256x1024xf32>
        %swap3A = arith.constant 0 : index
        %swap3A_232 = arith.constant 768 : index
        %swap3A_233 = arith.constant 0 : index
        %swap3A_234 = vector.load %arg4[%swap3A, %swap3A_232, %swap3A_233] : memref<1x2048x1024xf32, #tpu.memory_space<vmem>>, vector<1x256x1024xf32>
        %swap3A_235 = vector.shape_cast %swap3A_234 : vector<1x256x1024xf32> to vector<256x1024xf32>
        %swap3A_236 = vector.shape_cast %select_n3A_231 : vector<256x1024xf32> to vector<1x256x1024xf32>
        tpu.vector_store %arg4[%swap3A, %swap3A_232, %swap3A_233], %swap3A_236 {strides = array<i32>} : memref<1x2048x1024xf32, #tpu.memory_space<vmem>>, vector<1x256x1024xf32>,
      } else {
      }
      %le3A_164 = arith.constant 768 : i32
      %le3A_165 = arith.cmpi sle, %get3A_87, %le3A_164 : i32
      %convert_element_type3A_166 = arith.extui %le3A_165 : i1 to i32
      %cond3A_167 = arith.constant 0 : i32
      %cond3A_168 = arith.cmpi ne, %convert_element_type3A_166, %cond3A_167 : i32
      scf.if %cond3A_168 {
        %swap3A = arith.constant 0 : index
        %swap3A_209 = arith.constant 768 : index
        %swap3A_210 = arith.constant 0 : index
        %swap3A_211 = vector.load %arg4[%swap3A, %swap3A_209, %swap3A_210] : memref<1x2048x1024xf32, #tpu.memory_space<vmem>>, vector<1x256x1024xf32>
        %swap3A_212 = vector.shape_cast %swap3A_211 : vector<1x256x1024xf32> to vector<256x1024xf32>
        %swap3A_213 = vector.shape_cast %broadcast_in_dim3A_88 : vector<256x1024xf32> to vector<1x256x1024xf32>
        tpu.vector_store %arg4[%swap3A, %swap3A_209, %swap3A_210], %swap3A_213 {strides = array<i32>} : memref<1x2048x1024xf32, #tpu.memory_space<vmem>>, vector<1x256x1024xf32>,
      } else {
      }
      %gt3A_169 = arith.constant 1024 : i32
      %gt3A_170 = arith.cmpi sgt, %get3A_87, %gt3A_169 : i32
      %convert_element_type3A_171 = arith.extui %gt3A_170 : i1 to i32
      %cond3A_172 = arith.constant 0 : i32
      %cond3A_173 = arith.cmpi ne, %convert_element_type3A_171, %cond3A_172 : i32
      scf.if %cond3A_173 {
        %iota3A = tpu.iota {dimensions = array<i32: 0>} : vector<256x1xi32>
        %add3A_209 = arith.constant 1024 : i32
        %add3A_210 = vector.broadcast %add3A_209 : i32 to vector<256x1xi32>
        %add3A_211 = arith.addi %iota3A, %add3A_210 : vector<256x1xi32>
        %get3A_212 = arith.constant 0 : index
        %get3A_213 = arith.constant 0 : index
        %get3A_214 = arith.constant 1024 : index
        %get3A_215 = vector.load %arg2[%get3A_212, %get3A_213, %get3A_214] : memref<1x1x2048xi32, #tpu.memory_space<vmem>>, vector<1x1x256xi32>
        %get3A_216 = vector.shape_cast %get3A_215 : vector<1x1x256xi32> to vector<256xi32>
        %broadcast_in_dim3A_217 = vector.shape_cast %get3A_216 : vector<256xi32> to vector<256x1xi32>
        %lt3A_218 = vector.broadcast %get3A_87 : i32 to vector<256x1xi32>
        %lt3A_219 = arith.cmpi slt, %add3A_211, %lt3A_218 : vector<256x1xi32>
        %gt3A_220 = arith.constant 0 : i32
        %gt3A_221 = vector.broadcast %gt3A_220 : i32 to vector<256x1xi32>
        %gt3A_222 = arith.cmpi sgt, %broadcast_in_dim3A_217, %gt3A_221 : vector<256x1xi32>
        %and3A_223 = arith.andi %lt3A_219, %gt3A_222 : vector<256x1xi1>
        %get3A_224 = arith.constant 1 : index
        %get3A_225 = arith.constant 1024 : index
        %get3A_226 = arith.constant 0 : index
        %get3A_227 = vector.load %arg5[%get3A_224, %get3A_225, %get3A_226] : memref<2x2048x1024xf32, #tpu.memory_space<vmem>>, vector<1x256x1024xf32>
        %get3A_228 = vector.shape_cast %get3A_227 : vector<1x256x1024xf32> to vector<256x1024xf32>
        %broadcast_in_dim3A_229 = vector.shape_cast %and3A_223 : vector<256x1xi1> to vector<256x1xi1>
        %broadcast_in_dim3A_230 = vector.broadcast %broadcast_in_dim3A_229 : vector<256x1xi1> to vector<256x1024xi1>
        %select_n3A_231 = arith.select %broadcast_in_dim3A_230, %get3A_228, %broadcast_in_dim3A_88 : vector<256x1024xi1>, vector<256x1024xf32>
        %swap3A = arith.constant 0 : index
        %swap3A_232 = arith.constant 1024 : index
        %swap3A_233 = arith.constant 0 : index
        %swap3A_234 = vector.load %arg4[%swap3A, %swap3A_232, %swap3A_233] : memref<1x2048x1024xf32, #tpu.memory_space<vmem>>, vector<1x256x1024xf32>
        %swap3A_235 = vector.shape_cast %swap3A_234 : vector<1x256x1024xf32> to vector<256x1024xf32>
        %swap3A_236 = vector.shape_cast %select_n3A_231 : vector<256x1024xf32> to vector<1x256x1024xf32>
        tpu.vector_store %arg4[%swap3A, %swap3A_232, %swap3A_233], %swap3A_236 {strides = array<i32>} : memref<1x2048x1024xf32, #tpu.memory_space<vmem>>, vector<1x256x1024xf32>,
      } else {
      }
      %le3A_174 = arith.constant 1024 : i32
      %le3A_175 = arith.cmpi sle, %get3A_87, %le3A_174 : i32
      %convert_element_type3A_176 = arith.extui %le3A_175 : i1 to i32
      %cond3A_177 = arith.constant 0 : i32
      %cond3A_178 = arith.cmpi ne, %convert_element_type3A_176, %cond3A_177 : i32
      scf.if %cond3A_178 {
        %swap3A = arith.constant 0 : index
        %swap3A_209 = arith.constant 1024 : index
        %swap3A_210 = arith.constant 0 : index
        %swap3A_211 = vector.load %arg4[%swap3A, %swap3A_209, %swap3A_210] : memref<1x2048x1024xf32, #tpu.memory_space<vmem>>, vector<1x256x1024xf32>
        %swap3A_212 = vector.shape_cast %swap3A_211 : vector<1x256x1024xf32> to vector<256x1024xf32>
        %swap3A_213 = vector.shape_cast %broadcast_in_dim3A_88 : vector<256x1024xf32> to vector<1x256x1024xf32>
        tpu.vector_store %arg4[%swap3A, %swap3A_209, %swap3A_210], %swap3A_213 {strides = array<i32>} : memref<1x2048x1024xf32, #tpu.memory_space<vmem>>, vector<1x256x1024xf32>,
      } else {
      }
      %gt3A_179 = arith.constant 1280 : i32
      %gt3A_180 = arith.cmpi sgt, %get3A_87, %gt3A_179 : i32
      %convert_element_type3A_181 = arith.extui %gt3A_180 : i1 to i32
      %cond3A_182 = arith.constant 0 : i32
      %cond3A_183 = arith.cmpi ne, %convert_element_type3A_181, %cond3A_182 : i32
      scf.if %cond3A_183 {
        %iota3A = tpu.iota {dimensions = array<i32: 0>} : vector<256x1xi32>
        %add3A_209 = arith.constant 1280 : i32
        %add3A_210 = vector.broadcast %add3A_209 : i32 to vector<256x1xi32>
        %add3A_211 = arith.addi %iota3A, %add3A_210 : vector<256x1xi32>
        %get3A_212 = arith.constant 0 : index
        %get3A_213 = arith.constant 0 : index
        %get3A_214 = arith.constant 1280 : index
        %get3A_215 = vector.load %arg2[%get3A_212, %get3A_213, %get3A_214] : memref<1x1x2048xi32, #tpu.memory_space<vmem>>, vector<1x1x256xi32>
        %get3A_216 = vector.shape_cast %get3A_215 : vector<1x1x256xi32> to vector<256xi32>
        %broadcast_in_dim3A_217 = vector.shape_cast %get3A_216 : vector<256xi32> to vector<256x1xi32>
        %lt3A_218 = vector.broadcast %get3A_87 : i32 to vector<256x1xi32>
        %lt3A_219 = arith.cmpi slt, %add3A_211, %lt3A_218 : vector<256x1xi32>
        %gt3A_220 = arith.constant 0 : i32
        %gt3A_221 = vector.broadcast %gt3A_220 : i32 to vector<256x1xi32>
        %gt3A_222 = arith.cmpi sgt, %broadcast_in_dim3A_217, %gt3A_221 : vector<256x1xi32>
        %and3A_223 = arith.andi %lt3A_219, %gt3A_222 : vector<256x1xi1>
        %get3A_224 = arith.constant 1 : index
        %get3A_225 = arith.constant 1280 : index
        %get3A_226 = arith.constant 0 : index
        %get3A_227 = vector.load %arg5[%get3A_224, %get3A_225, %get3A_226] : memref<2x2048x1024xf32, #tpu.memory_space<vmem>>, vector<1x256x1024xf32>
        %get3A_228 = vector.shape_cast %get3A_227 : vector<1x256x1024xf32> to vector<256x1024xf32>
        %broadcast_in_dim3A_229 = vector.shape_cast %and3A_223 : vector<256x1xi1> to vector<256x1xi1>
        %broadcast_in_dim3A_230 = vector.broadcast %broadcast_in_dim3A_229 : vector<256x1xi1> to vector<256x1024xi1>
        %select_n3A_231 = arith.select %broadcast_in_dim3A_230, %get3A_228, %broadcast_in_dim3A_88 : vector<256x1024xi1>, vector<256x1024xf32>
        %swap3A = arith.constant 0 : index
        %swap3A_232 = arith.constant 1280 : index
        %swap3A_233 = arith.constant 0 : index
        %swap3A_234 = vector.load %arg4[%swap3A, %swap3A_232, %swap3A_233] : memref<1x2048x1024xf32, #tpu.memory_space<vmem>>, vector<1x256x1024xf32>
        %swap3A_235 = vector.shape_cast %swap3A_234 : vector<1x256x1024xf32> to vector<256x1024xf32>
        %swap3A_236 = vector.shape_cast %select_n3A_231 : vector<256x1024xf32> to vector<1x256x1024xf32>
        tpu.vector_store %arg4[%swap3A, %swap3A_232, %swap3A_233], %swap3A_236 {strides = array<i32>} : memref<1x2048x1024xf32, #tpu.memory_space<vmem>>, vector<1x256x1024xf32>,
      } else {
      }
      %le3A_184 = arith.constant 1280 : i32
      %le3A_185 = arith.cmpi sle, %get3A_87, %le3A_184 : i32
      %convert_element_type3A_186 = arith.extui %le3A_185 : i1 to i32
      %cond3A_187 = arith.constant 0 : i32
      %cond3A_188 = arith.cmpi ne, %convert_element_type3A_186, %cond3A_187 : i32
      scf.if %cond3A_188 {
        %swap3A = arith.constant 0 : index
        %swap3A_209 = arith.constant 1280 : index
        %swap3A_210 = arith.constant 0 : index
        %swap3A_211 = vector.load %arg4[%swap3A, %swap3A_209, %swap3A_210] : memref<1x2048x1024xf32, #tpu.memory_space<vmem>>, vector<1x256x1024xf32>
        %swap3A_212 = vector.shape_cast %swap3A_211 : vector<1x256x1024xf32> to vector<256x1024xf32>
        %swap3A_213 = vector.shape_cast %broadcast_in_dim3A_88 : vector<256x1024xf32> to vector<1x256x1024xf32>
        tpu.vector_store %arg4[%swap3A, %swap3A_209, %swap3A_210], %swap3A_213 {strides = array<i32>} : memref<1x2048x1024xf32, #tpu.memory_space<vmem>>, vector<1x256x1024xf32>,
      } else {
      }
      %gt3A_189 = arith.constant 1536 : i32
      %gt3A_190 = arith.cmpi sgt, %get3A_87, %gt3A_189 : i32
      %convert_element_type3A_191 = arith.extui %gt3A_190 : i1 to i32
      %cond3A_192 = arith.constant 0 : i32
      %cond3A_193 = arith.cmpi ne, %convert_element_type3A_191, %cond3A_192 : i32
      scf.if %cond3A_193 {
        %iota3A = tpu.iota {dimensions = array<i32: 0>} : vector<256x1xi32>
        %add3A_209 = arith.constant 1536 : i32
        %add3A_210 = vector.broadcast %add3A_209 : i32 to vector<256x1xi32>
        %add3A_211 = arith.addi %iota3A, %add3A_210 : vector<256x1xi32>
        %get3A_212 = arith.constant 0 : index
        %get3A_213 = arith.constant 0 : index
        %get3A_214 = arith.constant 1536 : index
        %get3A_215 = vector.load %arg2[%get3A_212, %get3A_213, %get3A_214] : memref<1x1x2048xi32, #tpu.memory_space<vmem>>, vector<1x1x256xi32>
        %get3A_216 = vector.shape_cast %get3A_215 : vector<1x1x256xi32> to vector<256xi32>
        %broadcast_in_dim3A_217 = vector.shape_cast %get3A_216 : vector<256xi32> to vector<256x1xi32>
        %lt3A_218 = vector.broadcast %get3A_87 : i32 to vector<256x1xi32>
        %lt3A_219 = arith.cmpi slt, %add3A_211, %lt3A_218 : vector<256x1xi32>
        %gt3A_220 = arith.constant 0 : i32
        %gt3A_221 = vector.broadcast %gt3A_220 : i32 to vector<256x1xi32>
        %gt3A_222 = arith.cmpi sgt, %broadcast_in_dim3A_217, %gt3A_221 : vector<256x1xi32>
        %and3A_223 = arith.andi %lt3A_219, %gt3A_222 : vector<256x1xi1>
        %get3A_224 = arith.constant 1 : index
        %get3A_225 = arith.constant 1536 : index
        %get3A_226 = arith.constant 0 : index
        %get3A_227 = vector.load %arg5[%get3A_224, %get3A_225, %get3A_226] : memref<2x2048x1024xf32, #tpu.memory_space<vmem>>, vector<1x256x1024xf32>
        %get3A_228 = vector.shape_cast %get3A_227 : vector<1x256x1024xf32> to vector<256x1024xf32>
        %broadcast_in_dim3A_229 = vector.shape_cast %and3A_223 : vector<256x1xi1> to vector<256x1xi1>
        %broadcast_in_dim3A_230 = vector.broadcast %broadcast_in_dim3A_229 : vector<256x1xi1> to vector<256x1024xi1>
        %select_n3A_231 = arith.select %broadcast_in_dim3A_230, %get3A_228, %broadcast_in_dim3A_88 : vector<256x1024xi1>, vector<256x1024xf32>
        %swap3A = arith.constant 0 : index
        %swap3A_232 = arith.constant 1536 : index
        %swap3A_233 = arith.constant 0 : index
        %swap3A_234 = vector.load %arg4[%swap3A, %swap3A_232, %swap3A_233] : memref<1x2048x1024xf32, #tpu.memory_space<vmem>>, vector<1x256x1024xf32>
        %swap3A_235 = vector.shape_cast %swap3A_234 : vector<1x256x1024xf32> to vector<256x1024xf32>
        %swap3A_236 = vector.shape_cast %select_n3A_231 : vector<256x1024xf32> to vector<1x256x1024xf32>
        tpu.vector_store %arg4[%swap3A, %swap3A_232, %swap3A_233], %swap3A_236 {strides = array<i32>} : memref<1x2048x1024xf32, #tpu.memory_space<vmem>>, vector<1x256x1024xf32>,
      } else {
      }
      %le3A_194 = arith.constant 1536 : i32
      %le3A_195 = arith.cmpi sle, %get3A_87, %le3A_194 : i32
      %convert_element_type3A_196 = arith.extui %le3A_195 : i1 to i32
      %cond3A_197 = arith.constant 0 : i32
      %cond3A_198 = arith.cmpi ne, %convert_element_type3A_196, %cond3A_197 : i32
      scf.if %cond3A_198 {
        %swap3A = arith.constant 0 : index
        %swap3A_209 = arith.constant 1536 : index
        %swap3A_210 = arith.constant 0 : index
        %swap3A_211 = vector.load %arg4[%swap3A, %swap3A_209, %swap3A_210] : memref<1x2048x1024xf32, #tpu.memory_space<vmem>>, vector<1x256x1024xf32>
        %swap3A_212 = vector.shape_cast %swap3A_211 : vector<1x256x1024xf32> to vector<256x1024xf32>
        %swap3A_213 = vector.shape_cast %broadcast_in_dim3A_88 : vector<256x1024xf32> to vector<1x256x1024xf32>
        tpu.vector_store %arg4[%swap3A, %swap3A_209, %swap3A_210], %swap3A_213 {strides = array<i32>} : memref<1x2048x1024xf32, #tpu.memory_space<vmem>>, vector<1x256x1024xf32>,
      } else {
      }
      %gt3A_199 = arith.constant 1792 : i32
      %gt3A_200 = arith.cmpi sgt, %get3A_87, %gt3A_199 : i32
      %convert_element_type3A_201 = arith.extui %gt3A_200 : i1 to i32
      %cond3A_202 = arith.constant 0 : i32
      %cond3A_203 = arith.cmpi ne, %convert_element_type3A_201, %cond3A_202 : i32
      scf.if %cond3A_203 {
        %iota3A = tpu.iota {dimensions = array<i32: 0>} : vector<256x1xi32>
        %add3A_209 = arith.constant 1792 : i32
        %add3A_210 = vector.broadcast %add3A_209 : i32 to vector<256x1xi32>
        %add3A_211 = arith.addi %iota3A, %add3A_210 : vector<256x1xi32>
        %get3A_212 = arith.constant 0 : index
        %get3A_213 = arith.constant 0 : index
        %get3A_214 = arith.constant 1792 : index
        %get3A_215 = vector.load %arg2[%get3A_212, %get3A_213, %get3A_214] : memref<1x1x2048xi32, #tpu.memory_space<vmem>>, vector<1x1x256xi32>
        %get3A_216 = vector.shape_cast %get3A_215 : vector<1x1x256xi32> to vector<256xi32>
        %broadcast_in_dim3A_217 = vector.shape_cast %get3A_216 : vector<256xi32> to vector<256x1xi32>
        %lt3A_218 = vector.broadcast %get3A_87 : i32 to vector<256x1xi32>
        %lt3A_219 = arith.cmpi slt, %add3A_211, %lt3A_218 : vector<256x1xi32>
        %gt3A_220 = arith.constant 0 : i32
        %gt3A_221 = vector.broadcast %gt3A_220 : i32 to vector<256x1xi32>
        %gt3A_222 = arith.cmpi sgt, %broadcast_in_dim3A_217, %gt3A_221 : vector<256x1xi32>
        %and3A_223 = arith.andi %lt3A_219, %gt3A_222 : vector<256x1xi1>
        %get3A_224 = arith.constant 1 : index
        %get3A_225 = arith.constant 1792 : index
        %get3A_226 = arith.constant 0 : index
        %get3A_227 = vector.load %arg5[%get3A_224, %get3A_225, %get3A_226] : memref<2x2048x1024xf32, #tpu.memory_space<vmem>>, vector<1x256x1024xf32>
        %get3A_228 = vector.shape_cast %get3A_227 : vector<1x256x1024xf32> to vector<256x1024xf32>
        %broadcast_in_dim3A_229 = vector.shape_cast %and3A_223 : vector<256x1xi1> to vector<256x1xi1>
        %broadcast_in_dim3A_230 = vector.broadcast %broadcast_in_dim3A_229 : vector<256x1xi1> to vector<256x1024xi1>
        %select_n3A_231 = arith.select %broadcast_in_dim3A_230, %get3A_228, %broadcast_in_dim3A_88 : vector<256x1024xi1>, vector<256x1024xf32>
        %swap3A = arith.constant 0 : index
        %swap3A_232 = arith.constant 1792 : index
        %swap3A_233 = arith.constant 0 : index
        %swap3A_234 = vector.load %arg4[%swap3A, %swap3A_232, %swap3A_233] : memref<1x2048x1024xf32, #tpu.memory_space<vmem>>, vector<1x256x1024xf32>
        %swap3A_235 = vector.shape_cast %swap3A_234 : vector<1x256x1024xf32> to vector<256x1024xf32>
        %swap3A_236 = vector.shape_cast %select_n3A_231 : vector<256x1024xf32> to vector<1x256x1024xf32>
        tpu.vector_store %arg4[%swap3A, %swap3A_232, %swap3A_233], %swap3A_236 {strides = array<i32>} : memref<1x2048x1024xf32, #tpu.memory_space<vmem>>, vector<1x256x1024xf32>,
      } else {
      }
      %le3A_204 = arith.constant 1792 : i32
      %le3A_205 = arith.cmpi sle, %get3A_87, %le3A_204 : i32
      %convert_element_type3A_206 = arith.extui %le3A_205 : i1 to i32
      %cond3A_207 = arith.constant 0 : i32
      %cond3A_208 = arith.cmpi ne, %convert_element_type3A_206, %cond3A_207 : i32
      scf.if %cond3A_208 {
        %swap3A = arith.constant 0 : index
        %swap3A_209 = arith.constant 1792 : index
        %swap3A_210 = arith.constant 0 : index
        %swap3A_211 = vector.load %arg4[%swap3A, %swap3A_209, %swap3A_210] : memref<1x2048x1024xf32, #tpu.memory_space<vmem>>, vector<1x256x1024xf32>
        %swap3A_212 = vector.shape_cast %swap3A_211 : vector<1x256x1024xf32> to vector<256x1024xf32>
        %swap3A_213 = vector.shape_cast %broadcast_in_dim3A_88 : vector<256x1024xf32> to vector<1x256x1024xf32>
        tpu.vector_store %arg4[%swap3A, %swap3A_209, %swap3A_210], %swap3A_213 {strides = array<i32>} : memref<1x2048x1024xf32, #tpu.memory_space<vmem>>, vector<1x256x1024xf32>,
      } else {
      }
    } else {
    }
    return
  }
  func.func @transform_0(%arg0: i32) -> i32 {
    %c0_i32 = arith.constant 0 : i32
    %c0_i32_0 = arith.constant 0 : i32
    return %c0_i32 : i32
  }
  func.func @transform_1(%arg0: i32) -> (i32, i32, i32) {
    %c0_i32 = arith.constant 0 : i32
    %c0_i32_0 = arith.constant 0 : i32
    %c0_i32_1 = arith.constant 0 : i32
    return %arg0, %c0_i32, %c0_i32_0 : i32, i32, i32
  }
  func.func @transform_3(%arg0: i32) -> (i32, i32, i32) {
    %c0_i32 = arith.constant 0 : i32
    %c0_i32_0 = arith.constant 0 : i32
    %c0_i32_1 = arith.constant 0 : i32
    return %arg0, %c0_i32, %c0_i32_0 : i32, i32, i32
  }
}

</mosaic_0001>

<sc_bundles>
// kernel: kernel.4.cloned.1.call-start
scs
__scs_entry_jumppad:
0x0: {  	(pc) =	sbr.rel $0x88, $3  }
0x1: {  	(tag) =	ssettag $0x0;
	lr =	simm.s32 $0x1  }
0x2: {  	[smem:$0x3F9F] =	sst lr;
	_ =	strace $0xD0000000  }
0x3: {  	_ = 	snop  }
0x4: {  	_ = 	snop  }
0x5: {  	_ = 	snop  }
0x6: {  	_ = 	snop  }
0x7: {  	_ = 	snop  }
__scs_overlays_trampoline_lowered:
0x8: {  	[smem:$0x3FAE] =	sst s0  }
0x9: {  	[smem:$0x3FAF] =	sst s1  }
0xa: {  	[smem:$0x3FB0] =	sst s2  }
0xb: {  	[smem:$0x3FB1] =	sst s3  }
0xc: {  	[smem:$0x3FB2] =	sst s4  }
0xd: {  	[smem:$0x3FB3] =	sst s5  }
0xe: {  	[smem:$0x3FB4] =	sst s6  }
0xf: {  	[smem:$0x3FB5] =	sst s7  }
0x10: {  	[smem:$0x3FB6] =	sst s8  }
0x11: {  	[smem:$0x3FB7] =	sst s9;
	s0 =	simm.s32 @!p0 $0x0  }
0x12: {  	s1 =	sld [smem:$0x3F9D];
	s0 =	simm.s32 @p0 $0x1  }
0x13: {  	[smem:$0x3FB8] =	sst s0;
	s0 =	simm.s32 @!p1 $0x0  }
0x14: {  	s2 =	sld [smem:$0x3F9C];
	s0 =	simm.s32 @p1 $0x1  }
0x15: {  	[smem:$0x3FB9] =	sst s0;
	s0 =	simm.s32 @!p2 $0x0  }
0x16: {  	s3 =	sld [smem:$0x3FDB];
	s0 =	simm.s32 @p2 $0x1  }
0x17: {  	s4 =	simm.s32 $0x1BF5;
	[smem:$0x3FBB] =	sst s0  }
0x18: {  	s0 =	sld [smem:$0x3F9E];
	_ =	swait.ge [sflag:s4], $0x0  }
0x19: {  	s7 =	sld [smem:$0x3F9F]  }
0x1a: {  	s8 =	sadd.s32 $0xFFFFE003, lr  }
0x1b: {  	s9 =	sadd.s32 $0xFFFFFEF7, lr;
	s5 =	simm.s32 $0xFFFFFFFF;
	p2 =	slt.u32 s8, $0xFFFFF086  }
0x1c: {  	p1 =	slt.u32 s9, $0xF7A;
	s5 =	simm.s32 @!p2 $0x0  }
0x1d: {  	s5 =	simm.s32 @p1 $0x1;
	p0 =	seq.s32 s7, s2  }
0x1e: {  	s7 =	smul.u32 @!p0 $0xF7A, s2;
	p2 =	seq.s32 @!p0 s5, $0x0  }
0x1f: {  	s9 =	smul.u32 $0xF7A, s1;
	s8 =	simm.s32 @!p0 $0x1BF5;
	p2 =	por !p2, p0  }
0x20: {  	[sflag:s8] =	ssyncset.s32 @!p0 $0xFFFFF086;
	s6 =	sadd.s32 @!p0 s3, s7;
	s7 =	simm.s32 @!p0 $0x108  }
0x21: {  	s3 =	sadd.s32 s3, s9;
	s6 =	sadd.s32 @!p0 $0x88, s6;
	s7 =	simm.s32 @p2 $0x1082  }
0x22: {  	[simem:s7], [sflag:s8] =	dma.local @!p0 [hbm:s6], $0xF7A  }
0x23: {  	s9 =	sor.u32 $0xD0000000, s2;
	s6 =	simm.s32 $0x108;
	_ =	swait.ge @!p0 [sflag:s8], $0x0  }
0x24: {  	s3 =	sadd.s32 $0x88, s3;
	s6 =	simm.s32 @!p1 $0x1082;
	[sflag:s4] =	ssyncset.s32 $0xFFFFF086  }
0x25: {  	[simem:s6], [sflag:s4] =	dma.local [hbm:s3], $0xF7A  }
0x26: {  	[smem:$0x3F9F] =	sst s1;
	(tag) =	ssettag s2;
	_ =	strace s9  }
0x27: {  	s1 =	sld [smem:$0x3FAF]  }
0x28: {  	s2 =	sld [smem:$0x3FB0]  }
0x29: {  	s4 =	sld [smem:$0x3FB2]  }
0x2a: {  	p0 =	seq.s32 s5, $0x0;
	s5 =	sld [smem:$0x3FB3]  }
0x2b: {  	s6 =	sld [smem:$0x3FB4]  }
0x2c: {  	s7 =	sld [smem:$0x3FB5]  }
0x2d: {  	s3 =	simm.s32 $0x108;
	s8 =	sld [smem:$0x3FB6]  }
0x2e: {  	s3 =	simm.s32 @!p0 $0x1082;
	s9 =	sld [smem:$0x3FB7]  }
0x2f: {  	lr =	sadd.s32 s0, s3;
	s0 =	sld [smem:$0x3FAE]  }
0x30: {  	s3 =	sld [smem:$0x3FB1]  }
0x31: {  	[smem:$0x3FBA] =	sst s10  }
0x32: {  	s10 =	sld [smem:$0x3FB8];
	_ =	sdelay $0x3  }
0x33: {  	p0 =	seq.s32 s10, $0x1;
	s10 =	sld [smem:$0x3FBA];
	_ =	sdelay $0x3  }
0x34: {  	[smem:$0x3FBA] =	sst s10  }
0x35: {  	s10 =	sld [smem:$0x3FB9];
	_ =	sdelay $0x3  }
0x36: {  	p1 =	seq.s32 s10, $0x1;
	s10 =	sld [smem:$0x3FBA];
	_ =	sdelay $0x3  }
0x37: {  	[smem:$0x3FBA] =	sst s10  }
0x38: {  	s10 =	sld [smem:$0x3FBB]  }
0x39: {  	_ = 	snop;
	(pc) =	sbr.ind lr, $3  }
0x3a: {  	_ = 	snop  }
0x3b: {  	_ = 	snop  }
0x3c: {  	p2 =	seq.s32 s10, $0x1;
	s10 =	sld [smem:$0x3FBA]  }
0x3d: {  	_ =	shalt  }
0x3e: {  	_ =	shalt  }
0x3f: {  	_ =	shalt  }
0x40: {  	_ =	shalt  }
0x41: {  	_ =	shalt  }
0x42: {  	_ =	shalt  }
0x43: {  	_ =	shalt  }
0x44: {  	_ =	shalt  }
0x45: {  	_ =	shalt  }
0x46: {  	_ =	shalt  }
0x47: {  	_ =	shalt  }
0x48: {  	_ =	shalt  }
0x49: {  	_ =	shalt  }
0x4a: {  	_ =	shalt  }
0x4b: {  	_ =	shalt  }
0x4c: {  	_ =	shalt  }
0x4d: {  	_ =	shalt  }
0x4e: {  	_ =	shalt  }
0x4f: {  	_ =	shalt  }
0x50: {  	_ =	shalt  }
0x51: {  	_ =	shalt  }
0x52: {  	_ =	shalt  }
0x53: {  	_ =	shalt  }
0x54: {  	_ =	shalt  }
0x55: {  	_ =	shalt  }
0x56: {  	_ =	shalt  }
0x57: {  	_ =	shalt  }
0x58: {  	_ =	shalt  }
0x59: {  	_ =	shalt  }
0x5a: {  	_ =	shalt  }
0x5b: {  	_ =	shalt  }
0x5c: {  	_ =	shalt  }
0x5d: {  	_ =	shalt  }
0x5e: {  	_ =	shalt  }
0x5f: {  	_ =	shalt  }
0x60: {  	_ =	shalt  }
0x61: {  	_ =	shalt  }
0x62: {  	_ =	shalt  }
0x63: {  	_ =	shalt  }
0x64: {  	_ =	shalt  }
0x65: {  	_ =	shalt  }
0x66: {  	_ =	shalt  }
0x67: {  	_ =	shalt  }
0x68: {  	_ =	shalt  }
0x69: {  	_ =	shalt  }
0x6a: {  	_ =	shalt  }
0x6b: {  	_ =	shalt  }
0x6c: {  	_ =	shalt  }
0x6d: {  	_ =	shalt  }
0x6e: {  	_ =	shalt  }
0x6f: {  	_ =	shalt  }
0x70: {  	_ =	shalt  }
0x71: {  	_ =	shalt  }
0x72: {  	_ =	shalt  }
0x73: {  	_ =	shalt  }
0x74: {  	_ =	shalt  }
0x75: {  	_ =	shalt  }
0x76: {  	_ =	shalt  }
0x77: {  	_ =	shalt  }
0x78: {  	_ =	shalt  }
0x79: {  	_ =	shalt  }
0x7a: {  	_ =	shalt  }
0x7b: {  	_ =	shalt  }
0x7c: {  	_ =	shalt  }
0x7d: {  	_ =	shalt  }
0x7e: {  	_ =	shalt  }
0x7f: {  	_ =	shalt  }
0x80: {  	_ =	shalt  }
0x81: {  	_ =	shalt  }
0x82: {  	_ =	shalt  }
0x83: {  	_ =	shalt  }
0x84: {  	_ =	shalt  }
0x85: {  	_ =	shalt  }
0x86: {  	_ =	shalt  }
0x87: {  	_ =	shalt  }
.Lfunc_end0:
.L_simem_size_0:
called_computation_lowered:
.L_overlay_start_0:
0x88: {  	s2 =	sld [smem:$0x3FD9]  }
0x89: {  	s3 =	sld [smem:$0x3FFE];
	_ =	sdelay $0x1  }
0x8a: {  	s1 =	srdreg.scid  }
0x8b: {  	s0 =	sand.u32 $0x1, s1  }
0x8c: {  	s17 =	sshll.u32 s0, $0xA;
	s2 =	sadd.s32 s3, s2  }
0x8d: {  	s2 =	sadd.s32 s2, s17  }
0x8e: {  	[smem:$0x3FC6] =	sst s2  }
0x8f: {  	_ = 	snop  }
0x90: {  	s2 =	sld [smem:$0x3FD0];
	(tm) =	ssettm $0x1  }
0x91: {  	s18 =	sld [smem:$0x3FFB];
	_ =	sdelay $0x3  }
0x92: {  	_ =	strace s18  }
0x93: {  	s3 =	sld [smem:$0x3FFC];
	_ =	sdelay $0x3  }
0x94: {  	_ =	strace s3  }
0x95: {  	s3 =	sld [smem:$0x3FFD];
	_ =	sdelay $0x3  }
0x96: {  	_ =	strace s3  }
0x97: {  	_ =	strace $0x8FFFFFFF  }
0x98: {  	s19 =	sld [smem:$0x3FDB];
	_ =	sdelay $0x1  }
0x99: {  	s4 =	simm.s32 $_scs_section_size  }
0x9a: {  	s5 =	simm.s32 $_size__tile_overlayer_lowered;
	s6 =	simm.s32 $_tile_overlayer_lowered  }
0x9b: {  	s22 =	simm.s32 $0x1BFF;
	s21 =	sshll.u32 s6, $0x1;
	s3 =	sadd.s32 s4, s19  }
0x9c: {  	s7 =	simm.s32 $0x0;
	s20 =	sshll.u32 s5, $0x1;
	s5 =	sadd.s32 s21, s3  }
0x9d: {  	[timem:s7], [sflag:s22] =	dma.local [hbm:s5], s20  }
0x9e: {  	_ =	swait.ge [sflag:s22], s20  }
0x9f: {  	s4 =	ssub.s32 $0x0, s20;
	[sflag:s22] =	ssyncset.done $0x0  }
0xa0: {  	[sflag:s22] =	ssyncadd.s32 s4;
	_ =	sdelay $0x1  }
0xa1: {  	s23 =	simm.s32 $0x1B8B  }
0xa2: {  	_ =	swait.ge [sflag:s23], $0x1  }
0xa3: {  	[sflag:s23] =	ssyncset.done $0x0  }
0xa4: {  	s25 =	simm.s32 $0x1B8E;
	s24 =	sld [smem:$0x3FFE];
	[sflag:s23] =	ssyncadd.s32 $0xFFFFFFFF  }
0xa5: {  	s26 =	simm.s32 $execute0_lowered;
	[smem:$0x3FD2] =	sst s25  }
0xa6: {  	s5 =	sshll.u32 s26, $0x1;
	_ =	strace $0x80000046;
	[dreg:$0x1] =	wrdreg $0xFFFFFFFF  }
0xa7: {  	s28 =	simm.s32 $_size_execute0_lowered;
	s3 =	sadd.s32 s3, s5;
	[dreg:$0x0] =	wrdreg $0x0  }
0xa8: {  	s5 =	sshll.u32 s28, $0x1;
	[dreg:$0x2] =	wrdreg s3  }
0xa9: {  	[dreg:$0x3] =	wrdreg s5  }
0xaa: {  	[dreg:$0x4] =	wrdreg $0xC0  }
0xab: {  	_ =	task [dreg:s7], $0x5FFFF  }
0xac: {  	[dreg:$0x1] =	wrdreg $0xFFFFFFFF  }
0xad: {  	[dreg:$0x0] =	wrdreg $0x60  }
0xae: {  	[dreg:$0x2] =	wrdreg s2  }
0xaf: {  	[dreg:$0x3] =	wrdreg s24  }
0xb0: {  	[dreg:$0x4] =	wrdreg $0x9  }
0xb1: {  	_ =	task.clear_ibuf [dreg:s7], $0x5FFFF;
	_ =	strace $0x90000046  }
0xb2: {  	s29 =	simm.s32 $0x9;
	_ =	strace $0x80000048  }
0xb3: {  	_ =	swait.ge [sflag:s29], $0x1  }
0xb4: {  	[sflag:s29] =	ssyncadd.s32 $0xFFFFFFFF  }
0xb5: {  	_ =	strace $0x90000048  }
0xb6: {  	_ =	sfence  }
0xb7: {  	s30 =	sld [smem:$0x0];
	_ =	sdelay $0x2  }
0xb8: {  	s31 =	sshll.u32 s1, $0xD;
	s1 =	sshrl.u32 s1, $0x2  }
0xb9: {  	s3 =	sand.u32 $0x4000, s31;
	s1 =	sadd.s32 s1, s30  }
0xba: {  	s0 =	sor.u32 s3, s0;
	s1 =	sshll.u32 s1, $0x11  }
0xbb: {  	s0 =	sor.u32 s1, s0  }
0xbc: {  	s0 =	sadd.s32 $0x8F2B, s0  }
0xbd: {  	[sflag:s0] =	ssyncadd.remote.s32 $0x1  }
0xbe: {  	_ =	sfence.sel $0xFFFF  }
0xbf: {  	[dreg:$0x0] =	wrdreg $0xFFFFFFFF;
	(pc) =	sbr.abs _section_cstart, $3  }
0xc0: {  	[dreg:$0x1] =	wrdreg $0xFFFFFFFF  }
0xc1: {  	_ =	task.clear_ibuf [dreg:s7], $0x2FFFF;
	_ =	strace $0x9FFFFFFF  }
0xc2: {  	(tm) =	ssettm $0x7FFFFFFF  }
0xc3: {  	_ =	shalt  }
tec
execute0_lowered:
.L_overlay_start_1:
0x0: {  	(tag) =	ssettag $0x1  }
0x1: {  	s0 =	srdreg.scid  }
0x2: {  	s4 =	sand.u32 $0x1, s0;
	s0 =	stileid.u32  }
0x3: {  	s5 =	sshll.u32 s0, $0x1;
	s6 =	ssub.s32 $0x0, s4  }
0x4: {  	p0 =	sne.s32 s5, s6  }
.Ltmp0:
0x5: {  	_ = 	snop;
	(pc) =	sbr.rel @p0 .LBB2_5-.Ltmp0, $4  }
0x6: {  	_ = 	snop  }
0x7: {  	s2 =	rddreg [dreg:$0x0]  }
0x8: {  	s3 =	rddreg [dreg:$0x1]  }
0x9: {  	s1 =	rddreg [dreg:$0x2];
	_ =	strace $0x80000047  }
0xa: {  	s4 =	ssub.s32 $0x2, s4  }
0xb: {  	s3 =	sadd.s32 $0x800, s3;
	s5 =	sshrl.u32 s4, $0x1  }
0xc: {  	s6 =	simm.s32 $0x1;
	s7 =	simm.s32 $0x8000;
	s4 =	ssub.s32 s4, s5  }
0xd: {  	s8 =	simm.s32 $0x0;
	s5 =	simm.s32 $0x0;
	s4 =	smax.u32 s4, $0x1  }
.LBB2_2:
0xe: {  	[tilespmem:s5], [sflag:$0x1] =	stream.linear.gather [hbm4b:s2+s5], $0x8000, $0x38;
	[tilespmem:$0x8080] =	vst v63  }
0xf: {  	_ =	swait.ge [sflag:s6], $0x8000  }
0x10: {  	[sflag:s6] =	ssyncset.done $0x0  }
0x11: {  	s10 =	simm.s32 $0x40;
	[sflag:s6] =	ssyncadd.s32 $0xFFFF8000  }
0x12: {  	v2 =	vld [tilespmem:s10+$0xFFFFFFC0]  }
0x13: {  	v3 =	vld [tilespmem:s10+$0xFFFFFFD0]  }
0x14: {  	v4 =	vld [tilespmem:s10+$0xFFFFFFE0]  }
0x15: {  	v0 =	vld [tilespmem:s10+$0xFFFFFFF0]  }
0x16: {  	v5 =	vimm.s32 $0x0;
	v1 =	vld [tilespmem:s10+$0x0]  }
0x17: {  	v5 =	vadd.s32 v5, v2;
	v2 =	vld [tilespmem:s10+$0x10]  }
0x18: {  	v5 =	vadd.s32 v3, v5;
	v3 =	vld [tilespmem:s10+$0x20]  }
0x19: {  	s9 =	simm.s32 $0x0;
	v5 =	vadd.s32 v4, v5;
	v4 =	vld [tilespmem:s10+$0x30];
	s10 =	simm.s32 $0xC0  }
.LBB2_3:
0x1a: {  	v6 =	vld [tilespmem:s10+$0xFFFFFFC0];
	s9 =	sadd.s32 $0x8, s9;
	v0 =	vadd.s32 v0, v5  }
0x1b: {  	v5 =	vld [tilespmem:s10+$0xFFFFFFD0];
	p0 =	slt.u32 s9, $0x7F8;
	v0 =	vadd.s32 v1, v0  }
0x1c: {  	v7 =	vld [tilespmem:s10+$0xFFFFFFE0];
	v1 =	vadd.s32 v2, v0  }
.Ltmp1:
0x1d: {  	v0 =	vld [tilespmem:s10+$0xFFFFFFF0];
	v2 =	vadd.s32 v3, v1;
	(pc) =	sbr.rel @p0 .LBB2_3-.Ltmp1, $4  }
0x1e: {  	v1 =	vld [tilespmem:s10+$0x0];
	v2 =	vadd.s32 v4, v2  }
0x1f: {  	v3 =	vadd.s32 v2, v6;
	v2 =	vld [tilespmem:s10+$0x10]  }
0x20: {  	v4 =	vadd.s32 v5, v3;
	v3 =	vld [tilespmem:s10+$0x20]  }
0x21: {  	v5 =	vadd.s32 v7, v4;
	v4 =	vld [tilespmem:s10+$0x30];
	s10 =	sadd.s32 $0x80, s10  }
0x22: {  	v0 =	vadd.s32 v0, v5  }
0x23: {  	v0 =	vadd.s32 v1, v0  }
0x24: {  	v0 =	vadd.s32 v2, v0  }
0x25: {  	s8 =	sadd.s32 $0x1, s8;
	v0 =	vadd.s32 v3, v0  }
0x26: {  	p0 =	sne.s32 s8, s4;
	v0 =	vadd.s32 v4, v0  }
.Ltmp2:
0x27: {  	[tilespmem:$0x8000] =	vst v0;
	(pc) =	sbr.rel @p0 .LBB2_2-.Ltmp2, $4  }
0x28: {  	[hbm4b:s3+s5] =	stream.linear.scatter [tilespmem:s7], [sflag:$0x1], $0x80, $0x38;
	[tilespmem:$0x8080] =	vst v63  }
0x29: {  	_ =	swait.ge [sflag:s6], $0x80  }
0x2a: {  	[sflag:s6] =	ssyncset.done $0x0  }
0x2b: {  	[sflag:s6] =	ssyncadd.s32 $0xFFFFFF80  }
.LBB2_5:
0x2c: {  	_ =	sfence.sel $0x180000  }
0x2d: {  	[bflag:$0x0] =	sbarrier.arrive $0xFFFF  }
0x2e: {  	p0 =	sne.s32 s0, $0x0;
	_ =	strace $0x90000047  }
0x2f: {  	s0 =	sadd.s32 @!p0 $0x100000, s1;
	[bflag:$0x2] =	sbarrier.arrive $0xFFFF  }
0x30: {  	[sflag:s0] =	ssyncadd.tile.s32 @!p0 $0x1;
	_ =	shalt  }
.Lfunc_end2:
_tile_overlayer_lowered:
.L_overlay_start_2:
0x31: {  	(tag) =	ssettag $0x2  }
0x32: {  	s0 =	rddreg [dreg:$0x0];
	s2 =	stileid.u32  }
0x33: {  	s1 =	rddreg [dreg:$0x1];
	p0 =	sne.s32 s2, $0x0  }
0x34: {  	s3 =	rddreg [dreg:$0x2];
	[bflag:$0x3] =	sbarrier.arrive $0xFFFF;
	s2 =	simm.s32 @!p0 $0x1C02  }
0x35: {  	[timem:s3], [sflag:s2] =	dma.local @!p0 [hbm:s0], s1  }
0x36: {  	s0 =	simm.s32 @!p0 $0x2  }
0x37: {  	_ =	swait.ge @!p0 [sflag:s0], s1  }
0x38: {  	s1 =	ssub.s32 @!p0 $0x0, s1;
	[sflag:s0] =	ssyncset.done @!p0 $0x0  }
0x39: {  	[sflag:s0] =	ssyncadd.s32 @!p0 s1  }
0x3a: {  	[bflag:$0x3] =	sbarrier.arrive $0xFFFF  }
0x3b: {  	_ =	shalt  }

</sc_bundles>
